<compile_context>
chip_gen: v7x
topology: tpu7x:2x2x1
jax: 0.10.2.dev20260603
libtpu: 0.0.44.dev20260713+nightly
codegen_flags: <defaults>
</compile_context>

<pallas_src>
import functools

import jax
import jax.numpy as jnp
from jax import lax
from jax.experimental import pallas as pl
from jax.experimental.pallas import tpu as pltpu
from jax.experimental.pallas import tpu_sc as plsc

_BB = 256



def _sc_gather(table, idx4, n_planes, b, h):
    info = plsc.get_sparse_core_info()
    nw = info.num_cores * info.num_subcores
    bw = b // nw
    cw = 2 * bw
    mesh = plsc.VectorSubcoreMesh(core_axis_name="c", subcore_axis_name="s")

    @functools.partial(
        pl.kernel,
        mesh=mesh,
        out_type=jax.ShapeDtypeStruct((n_planes, 2 * b, h), jnp.float32),
        compiler_params=pltpu.CompilerParams(use_tc_tiling_on_sc=False),
        scratch_types=[
            pltpu.VMEM((2, 128), jnp.int32),
            pltpu.VMEM((2, 128), jnp.int32),
            pltpu.VMEM((cw, h), jnp.float32),
            pltpu.VMEM((cw, h), jnp.float32),
            pltpu.SemaphoreType.DMA,
            pltpu.SemaphoreType.DMA,
        ],
    )
    def k(table_hbm, idx_hbm, out_hbm, idx0, idx1, rows0, rows1, sem0, sem1):
        wid = lax.axis_index("s") * info.num_cores + lax.axis_index("c")
        idx_v = (idx0, idx1)
        rows_v = (rows0, rows1)
        sems = (sem0, sem1)

        def fire(j, u):
            pltpu.sync_copy(idx_hbm.at[j, pl.ds(2 * wid, 2), :], idx_v[u])
            for q in range(2):
                pltpu.async_copy(
                    table_hbm.at[idx_v[u].at[q]],
                    rows_v[u].at[pl.ds(128 * q, 128), :],
                    sems[u])

        def drain(j, u):
            for q in range(2):
                pltpu.make_async_copy(
                    table_hbm.at[idx_v[u].at[q]],
                    rows_v[u].at[pl.ds(128 * q, 128), :],
                    sems[u]).wait()
            pltpu.sync_copy(rows_v[u], out_hbm.at[j, pl.ds(cw * wid, cw), :])

        fire(0, 0)

        def body(p, carry):
            g = 2 * p
            fire(g + 1, 1)
            drain(g, 0)
            fire(g + 2, 0)
            drain(g + 1, 1)
            return carry

        lax.fori_loop(0, (n_planes - 1) // 2, body, 0)
        drain(n_planes - 1, 0)

    return k(table, idx4)



def _dense_body(ce_ref, hid_ref, sc_ref, wq_ref, w2_ref, p2_ref, e_ref,
                attw_ref, out_ref):
    kp = ce_ref.shape[0]
    bB = ce_ref.shape[1]
    h = hid_ref.shape[1]
    lw = 2 * h
    q = jnp.dot(hid_ref[...], wq_ref[...], preferred_element_type=jnp.float32)
    q2 = jnp.concatenate([q, q], axis=1)
    pieces = []
    for j in range(kp):
        key = jnp.dot(ce_ref[j], w2_ref[...], preferred_element_type=jnp.float32)
        pieces.append(jnp.tanh(q2 + key))
    t_all = jnp.concatenate(pieces, axis=1)
    S = jnp.dot(t_all, p2_ref[...], preferred_element_type=jnp.float32)
    m = jnp.max(S, axis=1, keepdims=True)
    e = jnp.exp(S - m)
    l = jnp.sum(e, axis=1, keepdims=True)
    attw = e / l * sc_ref[...]
    attw_ref[...] = attw
    w_all = jnp.dot(attw, e_ref[...], preferred_element_type=jnp.float32)
    acc = jnp.zeros((bB, lw), jnp.float32)
    for j in range(kp):
        acc = acc + ce_ref[j] * w_all[:, j * lw:(j + 1) * lw]
    out_ref[...] = acc[:, :h] + acc[:, h:]


def _dense_tc(ce, hid, scores, wqT, w2, p2, e_all):
    kp, b, lw = ce.shape
    h = hid.shape[1]
    k = scores.shape[1]
    kl = kp * lw
    nb = b // _BB
    return pl.pallas_call(
        _dense_body,
        grid=(nb,),
        in_specs=[
            pl.BlockSpec((kp, _BB, lw), lambda i: (0, i, 0)),
            pl.BlockSpec((_BB, h), lambda i: (i, 0)),
            pl.BlockSpec((_BB, k), lambda i: (i, 0)),
            pl.BlockSpec((h, h), lambda i: (0, 0)),
            pl.BlockSpec((lw, lw), lambda i: (0, 0)),
            pl.BlockSpec((kl, k), lambda i: (0, 0)),
            pl.BlockSpec((k, kl), lambda i: (0, 0)),
        ],
        out_specs=[
            pl.BlockSpec((_BB, k), lambda i: (i, 0)),
            pl.BlockSpec((_BB, h), lambda i: (i, 0)),
        ],
        out_shape=[
            jax.ShapeDtypeStruct((b, k), jnp.float32),
            jax.ShapeDtypeStruct((b, h), jnp.float32),
        ],
    )(ce, hid, scores, wqT, w2, p2, e_all)


def _make_selectors(W_a, k, h):
    lw = 2 * h
    kl = (k // 2) * lw
    i = jnp.arange(kl)
    kcol = 2 * (i // lw) + (i % lw) // h
    wvals = jnp.tile(W_a[0], kl // h)
    p2 = jnp.where(kcol[:, None] == jnp.arange(k)[None, :],
                   wvals[:, None], 0.0)
    kk = jnp.arange(k)[:, None]
    cc = jnp.arange(kl)[None, :]
    e_all = ((cc // lw == kk // 2) & ((cc % lw) // h == kk % 2)
             ).astype(jnp.float32)
    return p2, e_all



def kernel(embedded, hidden, comp_ingr_id, scores, emb_table, W_q, W_k, W_a):
    b, k = comp_ingr_id.shape
    h = emb_table.shape[1]
    kp = k // 2
    idx4 = jnp.transpose(
        comp_ingr_id.astype(jnp.int32).reshape(b, kp, 2), (1, 0, 2)
    ).reshape(kp, (2 * b) // 128, 128)
    gathered = _sc_gather(emb_table, idx4, kp, b, h)
    ce = gathered.reshape(kp, b, 2 * h)
    wqT = W_q.T
    wkT = W_k.T
    w2 = jnp.zeros((2 * h, 2 * h), jnp.float32).at[:h, :h].set(wkT).at[h:, h:].set(wkT)
    p2, e_all = _make_selectors(W_a, k, h)
    attn_scores, attn = _dense_tc(ce, hidden[0], scores, wqT, w2, p2, e_all)
    output = jnp.concatenate([embedded[0], attn], axis=1)[None]
    return (output, attn_scores, comp_ingr_id)

# --- scband reference (transcript-rebuilt; emitter-appended) ---
"""Pipeline reference for scband-pairing-att-10471130267873 (READ-ONLY COPY).

The authoritative reference and input builder live on the scoring server;
editing this copy changes nothing except your own understanding.
"""

import jax, jax.numpy as jnp
import numpy as np

B = 4096
H = 64
TOP_K = 50
VOCAB = 1000000

def setup_inputs(seed: int = 0) -> dict:
    key = jax.random.key(seed)
    k1, k2, k3, k4, k5, k6, k7, k8 = jax.random.split(key, 8)
    embedded = jax.random.normal(k1, (1, B, H), dtype=jnp.float32)
    hidden = jax.random.normal(k2, (1, B, H), dtype=jnp.float32)
    comp_ingr_id = jax.random.randint(k3, (B, TOP_K), 0, VOCAB, dtype=jnp.int64)
    scores = jax.random.uniform(k4, (B, TOP_K), dtype=jnp.float32)
    emb_table = jax.random.normal(k5, (VOCAB, H), dtype=jnp.float32) * 0.02
    # module parameters (nn.Linear without bias: y = x @ W.T)
    W_q = jax.random.normal(k6, (H, H), dtype=jnp.float32) * (1.0 / np.sqrt(H))
    W_k = jax.random.normal(k7, (H, H), dtype=jnp.float32) * (1.0 / np.sqrt(H))
    W_a = jax.random.normal(k8, (1, H), dtype=jnp.float32) * (1.0 / np.sqrt(H))
    return {"embedded": embedded, "hidden": hidden, "comp_ingr_id": comp_ingr_id,
            "scores": scores, "emb_table": emb_table, "W_q": W_q, "W_k": W_k, "W_a": W_a}

def reference(embedded, hidden, comp_ingr_id, scores, emb_table, W_q, W_k, W_a):
    # comp_emb = encoder_embedding(comp_ingr_id)  -> gather from large table
    comp_emb = jnp.take(emb_table, comp_ingr_id, axis=0)  # [B, K, H]
    # hidden_repeat = hidden[0].unsqueeze(1).expand(-1, top_k, -1)
    hidden_repeat = jnp.broadcast_to(hidden[0][:, None, :], (comp_ingr_id.shape[0], comp_ingr_id.shape[1], hidden.shape[-1]))
    query = hidden_repeat @ W_q.T          # query_layer
    key = comp_emb @ W_k.T                 # key_layer
    scores_att = jnp.tanh(query + key) @ W_a.T   # attn -> [B, K, 1]
    attn_weights = jax.nn.softmax(scores_att[..., 0], axis=-1)  # [B, K]
    attn_scores = attn_weights * scores    # [B, K]
    # attn_applied = bmm(attn_scores.view(B,1,K), comp_emb) -> [B, 1, H]
    attn_applied = jnp.einsum('bk,bkh->bh', attn_scores, comp_emb)
    output = jnp.concatenate([embedded[0], attn_applied], axis=1)[None]  # [1, B, 2H]
    return (output, attn_scores, comp_ingr_id)

if __name__ == "__main__":
    import jax
    _d = setup_inputs()
    print(jax.jit(kernel)(*tuple(_d.values())))

</pallas_src>

<mosaic_0001>
#map = affine_map<(d0, d1) -> (0, 0)>
#map1 = affine_map<(d0, d1) -> (0, 0, 0)>
module attributes {stable_mosaic.version = 14 : i64} {
  func.func @k(%arg0: i32, %arg1: i32, %arg2: memref<1000000x64xf32, #tpu.memory_space<hbm>>, %arg3: memref<25x64x128xi32, #tpu.memory_space<hbm>>, %arg4: memref<25x8192x64xf32, #tpu.memory_space<hbm>>, %arg5: memref<2x128xi32, #tpu.memory_space<vmem>>, %arg6: memref<2x128xi32, #tpu.memory_space<vmem>>, %arg7: memref<256x64xf32, #tpu.memory_space<vmem>>, %arg8: memref<256x64xf32, #tpu.memory_space<vmem>>, %arg9: memref<!tpu.dma_semaphore, #tpu.memory_space<semaphore_mem>>, %arg10: memref<!tpu.dma_semaphore, #tpu.memory_space<semaphore_mem>>) attributes {dimension_semantics = [#tpu.dimension_semantics<core_parallel>, #tpu.dimension_semantics<subcore_parallel>], iteration_bounds = array<i64: 2, 16>, scalar_prefetch = 0 : i64, scratch_operands = 6 : i64, tpu.core_type = #tpu.core_type<sc_vector_subcore>, window_params = [{transform_indices = #map}, {transform_indices = #map1}, {transform_indices = #map1}]} {
    %mul3A = arith.constant 2 : i32
    %mul3A_0 = arith.muli %arg1, %mul3A : i32
    %add3A = arith.addi %mul3A_0, %arg0 : i32
    %mul3A_1 = arith.constant 2 : i32
    %mul3A_2 = arith.muli %mul3A_1, %add3A : i32
    %run_scoped3A = arith.constant 0 : i32
    "tpu.region"() ({
      %run_scoped3A_49 = tpu.sem_alloc : memref<!tpu.dma_semaphore, #tpu.memory_space<semaphore_mem>>
      %dma_start3A_50 = arith.constant 0 : i32
      %dma_start3A_51 = tpu.memref_slice %arg3[%run_scoped3A, %mul3A_2, %dma_start3A_50] : memref<25x64x128xi32, #tpu.memory_space<hbm>> -> memref<1x2x128xi32, #tpu.memory_space<hbm>>
      %dma_start3A_52 = tpu.memref_squeeze %dma_start3A_51 : memref<1x2x128xi32, #tpu.memory_space<hbm>> -> memref<2x128xi32, #tpu.memory_space<hbm>>
      %dma_start3A_53 = arith.constant 0 : i32
      %dma_start3A_54 = tpu.memref_slice %arg3[%run_scoped3A, %mul3A_2, %dma_start3A_53] : memref<25x64x128xi32, #tpu.memory_space<hbm>> -> memref<1x2x128xi32, #tpu.memory_space<hbm>>
      %dma_start3A_55 = tpu.memref_squeeze %dma_start3A_54 : memref<1x2x128xi32, #tpu.memory_space<hbm>> -> memref<2x128xi32, #tpu.memory_space<hbm>>
      tpu.enqueue_dma source(%dma_start3A_55 : memref<2x128xi32, #tpu.memory_space<hbm>>) target(%arg5 : memref<2x128xi32, #tpu.memory_space<vmem>>) target_semaphore(%run_scoped3A_49 : memref<!tpu.dma_semaphore, #tpu.memory_space<semaphore_mem>>)
      %dma_wait3A_56 = arith.constant 0 : i32
      %dma_wait3A_57 = tpu.memref_slice %arg3[%run_scoped3A, %mul3A_2, %dma_wait3A_56] : memref<25x64x128xi32, #tpu.memory_space<hbm>> -> memref<1x2x128xi32, #tpu.memory_space<hbm>>
      %dma_wait3A_58 = tpu.memref_squeeze %dma_wait3A_57 : memref<1x2x128xi32, #tpu.memory_space<hbm>> -> memref<2x128xi32, #tpu.memory_space<hbm>>
      %dma_wait3A_59 = arith.constant 0 : i32
      %dma_wait3A_60 = tpu.memref_slice %arg3[%run_scoped3A, %mul3A_2, %dma_wait3A_59] : memref<25x64x128xi32, #tpu.memory_space<hbm>> -> memref<1x2x128xi32, #tpu.memory_space<hbm>>
      %dma_wait3A_61 = tpu.memref_squeeze %dma_wait3A_60 : memref<1x2x128xi32, #tpu.memory_space<hbm>> -> memref<2x128xi32, #tpu.memory_space<hbm>>
      tpu.wait_dma2 semaphore(%run_scoped3A_49 : memref<!tpu.dma_semaphore, #tpu.memory_space<semaphore_mem>>) src(%dma_wait3A_61 : memref<2x128xi32, #tpu.memory_space<hbm>>) dst(%arg5 : memref<2x128xi32, #tpu.memory_space<vmem>>)
      tpu.yield
    }) : () -> ()
    %dma_start3A = arith.constant 0 : i32
    %dma_start3A_3 = arith.constant 0 : i32
    %dma_start3A_4 = arith.constant 0 : i32
    %dma_start3A_5 = tpu.memref_slice %arg7[%dma_start3A_3, %dma_start3A_4] : memref<256x64xf32, #tpu.memory_space<vmem>> -> memref<128x64xf32, #tpu.memory_space<vmem>>
    %dma_start3A_6 = arith.constant 0 : i32
    %dma_start3A_7 = tpu.memref_slice %arg5[%dma_start3A, %dma_start3A_6] : memref<2x128xi32, #tpu.memory_space<vmem>> -> memref<1x128xi32, #tpu.memory_space<vmem>>
    %dma_start3A_8 = tpu.memref_squeeze %dma_start3A_7 : memref<1x128xi32, #tpu.memory_space<vmem>> -> memref<128xi32, #tpu.memory_space<vmem>>
    %dma_start3A_9 = arith.constant 0 : i32
    %dma_start3A_10 = arith.constant 0 : i32
    %dma_start3A_11 = tpu.memref_slice %arg2[%dma_start3A_9, %dma_start3A_10] : memref<1000000x64xf32, #tpu.memory_space<hbm>> -> memref<1000000x64xf32, #tpu.memory_space<hbm>>
    tpu.enqueue_indirect_dma source(%dma_start3A_11 : memref<1000000x64xf32, #tpu.memory_space<hbm>>) target(%dma_start3A_5 : memref<128x64xf32, #tpu.memory_space<vmem>>) offsets(%dma_start3A_8 : memref<128xi32, #tpu.memory_space<vmem>>) semaphore(%arg9 : memref<!tpu.dma_semaphore, #tpu.memory_space<semaphore_mem>>)
    %dma_start3A_12 = arith.constant 1 : i32
    %dma_start3A_13 = arith.constant 128 : i32
    %dma_start3A_14 = arith.constant 0 : i32
    %dma_start3A_15 = tpu.memref_slice %arg7[%dma_start3A_13, %dma_start3A_14] : memref<256x64xf32, #tpu.memory_space<vmem>> -> memref<128x64xf32, #tpu.memory_space<vmem>>
    %dma_start3A_16 = arith.constant 0 : i32
    %dma_start3A_17 = tpu.memref_slice %arg5[%dma_start3A_12, %dma_start3A_16] : memref<2x128xi32, #tpu.memory_space<vmem>> -> memref<1x128xi32, #tpu.memory_space<vmem>>
    %dma_start3A_18 = tpu.memref_squeeze %dma_start3A_17 : memref<1x128xi32, #tpu.memory_space<vmem>> -> memref<128xi32, #tpu.memory_space<vmem>>
    %dma_start3A_19 = arith.constant 0 : i32
    %dma_start3A_20 = arith.constant 0 : i32
    %dma_start3A_21 = tpu.memref_slice %arg2[%dma_start3A_19, %dma_start3A_20] : memref<1000000x64xf32, #tpu.memory_space<hbm>> -> memref<1000000x64xf32, #tpu.memory_space<hbm>>
    tpu.enqueue_indirect_dma source(%dma_start3A_21 : memref<1000000x64xf32, #tpu.memory_space<hbm>>) target(%dma_start3A_15 : memref<128x64xf32, #tpu.memory_space<vmem>>) offsets(%dma_start3A_18 : memref<128xi32, #tpu.memory_space<vmem>>) semaphore(%arg9 : memref<!tpu.dma_semaphore, #tpu.memory_space<semaphore_mem>>)
    %scan3A = arith.constant 0 : i32
    %scan3A_22 = arith.constant 0 : i32
    %scan3A_23 = arith.constant 12 : i32
    %scan3A_24 = arith.addi %scan3A_22, %scan3A_23 : i32
    %scan3A_25 = arith.constant 1 : i32
    scf.for %scan3A_49 = %scan3A_22 to %scan3A_24 step %scan3A_25  : i32 {
      %mul3A_50 = arith.constant 2 : i32
      %mul3A_51 = arith.muli %mul3A_50, %scan3A_49 : i32
      %add3A_52 = arith.constant 1 : i32
      %add3A_53 = arith.addi %mul3A_51, %add3A_52 : i32
      %mul3A_54 = arith.constant 2 : i32
      %mul3A_55 = arith.muli %mul3A_54, %add3A : i32
      "tpu.region"() ({
        %run_scoped3A_146 = tpu.sem_alloc : memref<!tpu.dma_semaphore, #tpu.memory_space<semaphore_mem>>
        %dma_start3A_147 = arith.constant 0 : i32
        %dma_start3A_148 = tpu.memref_slice %arg3[%add3A_53, %mul3A_55, %dma_start3A_147] : memref<25x64x128xi32, #tpu.memory_space<hbm>> -> memref<1x2x128xi32, #tpu.memory_space<hbm>>
        %dma_start3A_149 = tpu.memref_squeeze %dma_start3A_148 : memref<1x2x128xi32, #tpu.memory_space<hbm>> -> memref<2x128xi32, #tpu.memory_space<hbm>>
        %dma_start3A_150 = arith.constant 0 : i32
        %dma_start3A_151 = tpu.memref_slice %arg3[%add3A_53, %mul3A_55, %dma_start3A_150] : memref<25x64x128xi32, #tpu.memory_space<hbm>> -> memref<1x2x128xi32, #tpu.memory_space<hbm>>
        %dma_start3A_152 = tpu.memref_squeeze %dma_start3A_151 : memref<1x2x128xi32, #tpu.memory_space<hbm>> -> memref<2x128xi32, #tpu.memory_space<hbm>>
        tpu.enqueue_dma source(%dma_start3A_152 : memref<2x128xi32, #tpu.memory_space<hbm>>) target(%arg6 : memref<2x128xi32, #tpu.memory_space<vmem>>) target_semaphore(%run_scoped3A_146 : memref<!tpu.dma_semaphore, #tpu.memory_space<semaphore_mem>>)
        %dma_wait3A_153 = arith.constant 0 : i32
        %dma_wait3A_154 = tpu.memref_slice %arg3[%add3A_53, %mul3A_55, %dma_wait3A_153] : memref<25x64x128xi32, #tpu.memory_space<hbm>> -> memref<1x2x128xi32, #tpu.memory_space<hbm>>
        %dma_wait3A_155 = tpu.memref_squeeze %dma_wait3A_154 : memref<1x2x128xi32, #tpu.memory_space<hbm>> -> memref<2x128xi32, #tpu.memory_space<hbm>>
        %dma_wait3A_156 = arith.constant 0 : i32
        %dma_wait3A_157 = tpu.memref_slice %arg3[%add3A_53, %mul3A_55, %dma_wait3A_156] : memref<25x64x128xi32, #tpu.memory_space<hbm>> -> memref<1x2x128xi32, #tpu.memory_space<hbm>>
        %dma_wait3A_158 = tpu.memref_squeeze %dma_wait3A_157 : memref<1x2x128xi32, #tpu.memory_space<hbm>> -> memref<2x128xi32, #tpu.memory_space<hbm>>
        tpu.wait_dma2 semaphore(%run_scoped3A_146 : memref<!tpu.dma_semaphore, #tpu.memory_space<semaphore_mem>>) src(%dma_wait3A_158 : memref<2x128xi32, #tpu.memory_space<hbm>>) dst(%arg6 : memref<2x128xi32, #tpu.memory_space<vmem>>)
        tpu.yield
      }) : () -> ()
      %dma_start3A_56 = arith.constant 0 : i32
      %dma_start3A_57 = arith.constant 0 : i32
      %dma_start3A_58 = arith.constant 0 : i32
      %dma_start3A_59 = tpu.memref_slice %arg8[%dma_start3A_57, %dma_start3A_58] : memref<256x64xf32, #tpu.memory_space<vmem>> -> memref<128x64xf32, #tpu.memory_space<vmem>>
      %dma_start3A_60 = arith.constant 0 : i32
      %dma_start3A_61 = tpu.memref_slice %arg6[%dma_start3A_56, %dma_start3A_60] : memref<2x128xi32, #tpu.memory_space<vmem>> -> memref<1x128xi32, #tpu.memory_space<vmem>>
      %dma_start3A_62 = tpu.memref_squeeze %dma_start3A_61 : memref<1x128xi32, #tpu.memory_space<vmem>> -> memref<128xi32, #tpu.memory_space<vmem>>
      %dma_start3A_63 = arith.constant 0 : i32
      %dma_start3A_64 = arith.constant 0 : i32
      %dma_start3A_65 = tpu.memref_slice %arg2[%dma_start3A_63, %dma_start3A_64] : memref<1000000x64xf32, #tpu.memory_space<hbm>> -> memref<1000000x64xf32, #tpu.memory_space<hbm>>
      tpu.enqueue_indirect_dma source(%dma_start3A_65 : memref<1000000x64xf32, #tpu.memory_space<hbm>>) target(%dma_start3A_59 : memref<128x64xf32, #tpu.memory_space<vmem>>) offsets(%dma_start3A_62 : memref<128xi32, #tpu.memory_space<vmem>>) semaphore(%arg10 : memref<!tpu.dma_semaphore, #tpu.memory_space<semaphore_mem>>)
      %dma_start3A_66 = arith.constant 1 : i32
      %dma_start3A_67 = arith.constant 128 : i32
      %dma_start3A_68 = arith.constant 0 : i32
      %dma_start3A_69 = tpu.memref_slice %arg8[%dma_start3A_67, %dma_start3A_68] : memref<256x64xf32, #tpu.memory_space<vmem>> -> memref<128x64xf32, #tpu.memory_space<vmem>>
      %dma_start3A_70 = arith.constant 0 : i32
      %dma_start3A_71 = tpu.memref_slice %arg6[%dma_start3A_66, %dma_start3A_70] : memref<2x128xi32, #tpu.memory_space<vmem>> -> memref<1x128xi32, #tpu.memory_space<vmem>>
      %dma_start3A_72 = tpu.memref_squeeze %dma_start3A_71 : memref<1x128xi32, #tpu.memory_space<vmem>> -> memref<128xi32, #tpu.memory_space<vmem>>
      %dma_start3A_73 = arith.constant 0 : i32
      %dma_start3A_74 = arith.constant 0 : i32
      %dma_start3A_75 = tpu.memref_slice %arg2[%dma_start3A_73, %dma_start3A_74] : memref<1000000x64xf32, #tpu.memory_space<hbm>> -> memref<1000000x64xf32, #tpu.memory_space<hbm>>
      tpu.enqueue_indirect_dma source(%dma_start3A_75 : memref<1000000x64xf32, #tpu.memory_space<hbm>>) target(%dma_start3A_69 : memref<128x64xf32, #tpu.memory_space<vmem>>) offsets(%dma_start3A_72 : memref<128xi32, #tpu.memory_space<vmem>>) semaphore(%arg10 : memref<!tpu.dma_semaphore, #tpu.memory_space<semaphore_mem>>)
      %dma_wait3A_76 = arith.constant 0 : i32
      %dma_wait3A_77 = arith.constant 0 : i32
      %dma_wait3A_78 = arith.constant 0 : i32
      %dma_wait3A_79 = tpu.memref_slice %arg7[%dma_wait3A_77, %dma_wait3A_78] : memref<256x64xf32, #tpu.memory_space<vmem>> -> memref<128x64xf32, #tpu.memory_space<vmem>>
      %dma_wait3A_80 = arith.constant 0 : i32
      %dma_wait3A_81 = tpu.memref_slice %arg5[%dma_wait3A_76, %dma_wait3A_80] : memref<2x128xi32, #tpu.memory_space<vmem>> -> memref<1x128xi32, #tpu.memory_space<vmem>>
      %dma_wait3A_82 = tpu.memref_squeeze %dma_wait3A_81 : memref<1x128xi32, #tpu.memory_space<vmem>> -> memref<128xi32, #tpu.memory_space<vmem>>
      %dma_wait3A_83 = arith.constant 0 : i32
      %dma_wait3A_84 = arith.constant 0 : i32
      %dma_wait3A_85 = tpu.memref_slice %arg2[%dma_wait3A_83, %dma_wait3A_84] : memref<1000000x64xf32, #tpu.memory_space<hbm>> -> memref<1000000x64xf32, #tpu.memory_space<hbm>>
      tpu.wait_indirect_dma semaphore(%arg9 : memref<!tpu.dma_semaphore, #tpu.memory_space<semaphore_mem>>) src(%dma_wait3A_85 : memref<1000000x64xf32, #tpu.memory_space<hbm>>) dst(%dma_wait3A_79 : memref<128x64xf32, #tpu.memory_space<vmem>>)
      %dma_wait3A_86 = arith.constant 1 : i32
      %dma_wait3A_87 = arith.constant 128 : i32
      %dma_wait3A_88 = arith.constant 0 : i32
      %dma_wait3A_89 = tpu.memref_slice %arg7[%dma_wait3A_87, %dma_wait3A_88] : memref<256x64xf32, #tpu.memory_space<vmem>> -> memref<128x64xf32, #tpu.memory_space<vmem>>
      %dma_wait3A_90 = arith.constant 0 : i32
      %dma_wait3A_91 = tpu.memref_slice %arg5[%dma_wait3A_86, %dma_wait3A_90] : memref<2x128xi32, #tpu.memory_space<vmem>> -> memref<1x128xi32, #tpu.memory_space<vmem>>
      %dma_wait3A_92 = tpu.memref_squeeze %dma_wait3A_91 : memref<1x128xi32, #tpu.memory_space<vmem>> -> memref<128xi32, #tpu.memory_space<vmem>>
      %dma_wait3A_93 = arith.constant 0 : i32
      %dma_wait3A_94 = arith.constant 0 : i32
      %dma_wait3A_95 = tpu.memref_slice %arg2[%dma_wait3A_93, %dma_wait3A_94] : memref<1000000x64xf32, #tpu.memory_space<hbm>> -> memref<1000000x64xf32, #tpu.memory_space<hbm>>
      tpu.wait_indirect_dma semaphore(%arg9 : memref<!tpu.dma_semaphore, #tpu.memory_space<semaphore_mem>>) src(%dma_wait3A_95 : memref<1000000x64xf32, #tpu.memory_space<hbm>>) dst(%dma_wait3A_89 : memref<128x64xf32, #tpu.memory_space<vmem>>)
      %mul3A_96 = arith.constant 256 : i32
      %mul3A_97 = arith.muli %mul3A_96, %add3A : i32
      "tpu.region"() ({
        %run_scoped3A_146 = tpu.sem_alloc : memref<!tpu.dma_semaphore, #tpu.memory_space<semaphore_mem>>
        %dma_start3A_147 = arith.constant 0 : i32
        %dma_start3A_148 = tpu.memref_slice %arg4[%mul3A_51, %mul3A_97, %dma_start3A_147] : memref<25x8192x64xf32, #tpu.memory_space<hbm>> -> memref<1x256x64xf32, #tpu.memory_space<hbm>>
        %dma_start3A_149 = tpu.memref_squeeze %dma_start3A_148 : memref<1x256x64xf32, #tpu.memory_space<hbm>> -> memref<256x64xf32, #tpu.memory_space<hbm>>
        %dma_start3A_150 = arith.constant 0 : i32
        %dma_start3A_151 = tpu.memref_slice %arg4[%mul3A_51, %mul3A_97, %dma_start3A_150] : memref<25x8192x64xf32, #tpu.memory_space<hbm>> -> memref<1x256x64xf32, #tpu.memory_space<hbm>>
        %dma_start3A_152 = tpu.memref_squeeze %dma_start3A_151 : memref<1x256x64xf32, #tpu.memory_space<hbm>> -> memref<256x64xf32, #tpu.memory_space<hbm>>
        tpu.enqueue_dma source(%arg7 : memref<256x64xf32, #tpu.memory_space<vmem>>) target(%dma_start3A_152 : memref<256x64xf32, #tpu.memory_space<hbm>>) target_semaphore(%run_scoped3A_146 : memref<!tpu.dma_semaphore, #tpu.memory_space<semaphore_mem>>)
        %dma_wait3A_153 = arith.constant 0 : i32
        %dma_wait3A_154 = tpu.memref_slice %arg4[%mul3A_51, %mul3A_97, %dma_wait3A_153] : memref<25x8192x64xf32, #tpu.memory_space<hbm>> -> memref<1x256x64xf32, #tpu.memory_space<hbm>>
        %dma_wait3A_155 = tpu.memref_squeeze %dma_wait3A_154 : memref<1x256x64xf32, #tpu.memory_space<hbm>> -> memref<256x64xf32, #tpu.memory_space<hbm>>
        %dma_wait3A_156 = arith.constant 0 : i32
        %dma_wait3A_157 = tpu.memref_slice %arg4[%mul3A_51, %mul3A_97, %dma_wait3A_156] : memref<25x8192x64xf32, #tpu.memory_space<hbm>> -> memref<1x256x64xf32, #tpu.memory_space<hbm>>
        %dma_wait3A_158 = tpu.memref_squeeze %dma_wait3A_157 : memref<1x256x64xf32, #tpu.memory_space<hbm>> -> memref<256x64xf32, #tpu.memory_space<hbm>>
        tpu.wait_dma2 semaphore(%run_scoped3A_146 : memref<!tpu.dma_semaphore, #tpu.memory_space<semaphore_mem>>) src(%arg7 : memref<256x64xf32, #tpu.memory_space<vmem>>) dst(%dma_wait3A_158 : memref<256x64xf32, #tpu.memory_space<hbm>>)
        tpu.yield
      }) : () -> ()
      %add3A_98 = arith.constant 2 : i32
      %add3A_99 = arith.addi %mul3A_51, %add3A_98 : i32
      %mul3A_100 = arith.constant 2 : i32
      %mul3A_101 = arith.muli %mul3A_100, %add3A : i32
      "tpu.region"() ({
        %run_scoped3A_146 = tpu.sem_alloc : memref<!tpu.dma_semaphore, #tpu.memory_space<semaphore_mem>>
        %dma_start3A_147 = arith.constant 0 : i32
        %dma_start3A_148 = tpu.memref_slice %arg3[%add3A_99, %mul3A_101, %dma_start3A_147] : memref<25x64x128xi32, #tpu.memory_space<hbm>> -> memref<1x2x128xi32, #tpu.memory_space<hbm>>
        %dma_start3A_149 = tpu.memref_squeeze %dma_start3A_148 : memref<1x2x128xi32, #tpu.memory_space<hbm>> -> memref<2x128xi32, #tpu.memory_space<hbm>>
        %dma_start3A_150 = arith.constant 0 : i32
        %dma_start3A_151 = tpu.memref_slice %arg3[%add3A_99, %mul3A_101, %dma_start3A_150] : memref<25x64x128xi32, #tpu.memory_space<hbm>> -> memref<1x2x128xi32, #tpu.memory_space<hbm>>
        %dma_start3A_152 = tpu.memref_squeeze %dma_start3A_151 : memref<1x2x128xi32, #tpu.memory_space<hbm>> -> memref<2x128xi32, #tpu.memory_space<hbm>>
        tpu.enqueue_dma source(%dma_start3A_152 : memref<2x128xi32, #tpu.memory_space<hbm>>) target(%arg5 : memref<2x128xi32, #tpu.memory_space<vmem>>) target_semaphore(%run_scoped3A_146 : memref<!tpu.dma_semaphore, #tpu.memory_space<semaphore_mem>>)
        %dma_wait3A_153 = arith.constant 0 : i32
        %dma_wait3A_154 = tpu.memref_slice %arg3[%add3A_99, %mul3A_101, %dma_wait3A_153] : memref<25x64x128xi32, #tpu.memory_space<hbm>> -> memref<1x2x128xi32, #tpu.memory_space<hbm>>
        %dma_wait3A_155 = tpu.memref_squeeze %dma_wait3A_154 : memref<1x2x128xi32, #tpu.memory_space<hbm>> -> memref<2x128xi32, #tpu.memory_space<hbm>>
        %dma_wait3A_156 = arith.constant 0 : i32
        %dma_wait3A_157 = tpu.memref_slice %arg3[%add3A_99, %mul3A_101, %dma_wait3A_156] : memref<25x64x128xi32, #tpu.memory_space<hbm>> -> memref<1x2x128xi32, #tpu.memory_space<hbm>>
        %dma_wait3A_158 = tpu.memref_squeeze %dma_wait3A_157 : memref<1x2x128xi32, #tpu.memory_space<hbm>> -> memref<2x128xi32, #tpu.memory_space<hbm>>
        tpu.wait_dma2 semaphore(%run_scoped3A_146 : memref<!tpu.dma_semaphore, #tpu.memory_space<semaphore_mem>>) src(%dma_wait3A_158 : memref<2x128xi32, #tpu.memory_space<hbm>>) dst(%arg5 : memref<2x128xi32, #tpu.memory_space<vmem>>)
        tpu.yield
      }) : () -> ()
      %dma_start3A_102 = arith.constant 0 : i32
      %dma_start3A_103 = arith.constant 0 : i32
      %dma_start3A_104 = arith.constant 0 : i32
      %dma_start3A_105 = tpu.memref_slice %arg7[%dma_start3A_103, %dma_start3A_104] : memref<256x64xf32, #tpu.memory_space<vmem>> -> memref<128x64xf32, #tpu.memory_space<vmem>>
      %dma_start3A_106 = arith.constant 0 : i32
      %dma_start3A_107 = tpu.memref_slice %arg5[%dma_start3A_102, %dma_start3A_106] : memref<2x128xi32, #tpu.memory_space<vmem>> -> memref<1x128xi32, #tpu.memory_space<vmem>>
      %dma_start3A_108 = tpu.memref_squeeze %dma_start3A_107 : memref<1x128xi32, #tpu.memory_space<vmem>> -> memref<128xi32, #tpu.memory_space<vmem>>
      %dma_start3A_109 = arith.constant 0 : i32
      %dma_start3A_110 = arith.constant 0 : i32
      %dma_start3A_111 = tpu.memref_slice %arg2[%dma_start3A_109, %dma_start3A_110] : memref<1000000x64xf32, #tpu.memory_space<hbm>> -> memref<1000000x64xf32, #tpu.memory_space<hbm>>
      tpu.enqueue_indirect_dma source(%dma_start3A_111 : memref<1000000x64xf32, #tpu.memory_space<hbm>>) target(%dma_start3A_105 : memref<128x64xf32, #tpu.memory_space<vmem>>) offsets(%dma_start3A_108 : memref<128xi32, #tpu.memory_space<vmem>>) semaphore(%arg9 : memref<!tpu.dma_semaphore, #tpu.memory_space<semaphore_mem>>)
      %dma_start3A_112 = arith.constant 1 : i32
      %dma_start3A_113 = arith.constant 128 : i32
      %dma_start3A_114 = arith.constant 0 : i32
      %dma_start3A_115 = tpu.memref_slice %arg7[%dma_start3A_113, %dma_start3A_114] : memref<256x64xf32, #tpu.memory_space<vmem>> -> memref<128x64xf32, #tpu.memory_space<vmem>>
      %dma_start3A_116 = arith.constant 0 : i32
      %dma_start3A_117 = tpu.memref_slice %arg5[%dma_start3A_112, %dma_start3A_116] : memref<2x128xi32, #tpu.memory_space<vmem>> -> memref<1x128xi32, #tpu.memory_space<vmem>>
      %dma_start3A_118 = tpu.memref_squeeze %dma_start3A_117 : memref<1x128xi32, #tpu.memory_space<vmem>> -> memref<128xi32, #tpu.memory_space<vmem>>
      %dma_start3A_119 = arith.constant 0 : i32
      %dma_start3A_120 = arith.constant 0 : i32
      %dma_start3A_121 = tpu.memref_slice %arg2[%dma_start3A_119, %dma_start3A_120] : memref<1000000x64xf32, #tpu.memory_space<hbm>> -> memref<1000000x64xf32, #tpu.memory_space<hbm>>
      tpu.enqueue_indirect_dma source(%dma_start3A_121 : memref<1000000x64xf32, #tpu.memory_space<hbm>>) target(%dma_start3A_115 : memref<128x64xf32, #tpu.memory_space<vmem>>) offsets(%dma_start3A_118 : memref<128xi32, #tpu.memory_space<vmem>>) semaphore(%arg9 : memref<!tpu.dma_semaphore, #tpu.memory_space<semaphore_mem>>)
      %add3A_122 = arith.constant 1 : i32
      %add3A_123 = arith.addi %mul3A_51, %add3A_122 : i32
      %dma_wait3A_124 = arith.constant 0 : i32
      %dma_wait3A_125 = arith.constant 0 : i32
      %dma_wait3A_126 = arith.constant 0 : i32
      %dma_wait3A_127 = tpu.memref_slice %arg8[%dma_wait3A_125, %dma_wait3A_126] : memref<256x64xf32, #tpu.memory_space<vmem>> -> memref<128x64xf32, #tpu.memory_space<vmem>>
      %dma_wait3A_128 = arith.constant 0 : i32
      %dma_wait3A_129 = tpu.memref_slice %arg6[%dma_wait3A_124, %dma_wait3A_128] : memref<2x128xi32, #tpu.memory_space<vmem>> -> memref<1x128xi32, #tpu.memory_space<vmem>>
      %dma_wait3A_130 = tpu.memref_squeeze %dma_wait3A_129 : memref<1x128xi32, #tpu.memory_space<vmem>> -> memref<128xi32, #tpu.memory_space<vmem>>
      %dma_wait3A_131 = arith.constant 0 : i32
      %dma_wait3A_132 = arith.constant 0 : i32
      %dma_wait3A_133 = tpu.memref_slice %arg2[%dma_wait3A_131, %dma_wait3A_132] : memref<1000000x64xf32, #tpu.memory_space<hbm>> -> memref<1000000x64xf32, #tpu.memory_space<hbm>>
      tpu.wait_indirect_dma semaphore(%arg10 : memref<!tpu.dma_semaphore, #tpu.memory_space<semaphore_mem>>) src(%dma_wait3A_133 : memref<1000000x64xf32, #tpu.memory_space<hbm>>) dst(%dma_wait3A_127 : memref<128x64xf32, #tpu.memory_space<vmem>>)
      %dma_wait3A_134 = arith.constant 1 : i32
      %dma_wait3A_135 = arith.constant 128 : i32
      %dma_wait3A_136 = arith.constant 0 : i32
      %dma_wait3A_137 = tpu.memref_slice %arg8[%dma_wait3A_135, %dma_wait3A_136] : memref<256x64xf32, #tpu.memory_space<vmem>> -> memref<128x64xf32, #tpu.memory_space<vmem>>
      %dma_wait3A_138 = arith.constant 0 : i32
      %dma_wait3A_139 = tpu.memref_slice %arg6[%dma_wait3A_134, %dma_wait3A_138] : memref<2x128xi32, #tpu.memory_space<vmem>> -> memref<1x128xi32, #tpu.memory_space<vmem>>
      %dma_wait3A_140 = tpu.memref_squeeze %dma_wait3A_139 : memref<1x128xi32, #tpu.memory_space<vmem>> -> memref<128xi32, #tpu.memory_space<vmem>>
      %dma_wait3A_141 = arith.constant 0 : i32
      %dma_wait3A_142 = arith.constant 0 : i32
      %dma_wait3A_143 = tpu.memref_slice %arg2[%dma_wait3A_141, %dma_wait3A_142] : memref<1000000x64xf32, #tpu.memory_space<hbm>> -> memref<1000000x64xf32, #tpu.memory_space<hbm>>
      tpu.wait_indirect_dma semaphore(%arg10 : memref<!tpu.dma_semaphore, #tpu.memory_space<semaphore_mem>>) src(%dma_wait3A_143 : memref<1000000x64xf32, #tpu.memory_space<hbm>>) dst(%dma_wait3A_137 : memref<128x64xf32, #tpu.memory_space<vmem>>)
      %mul3A_144 = arith.constant 256 : i32
      %mul3A_145 = arith.muli %mul3A_144, %add3A : i32
      "tpu.region"() ({
        %run_scoped3A_146 = tpu.sem_alloc : memref<!tpu.dma_semaphore, #tpu.memory_space<semaphore_mem>>
        %dma_start3A_147 = arith.constant 0 : i32
        %dma_start3A_148 = tpu.memref_slice %arg4[%add3A_123, %mul3A_145, %dma_start3A_147] : memref<25x8192x64xf32, #tpu.memory_space<hbm>> -> memref<1x256x64xf32, #tpu.memory_space<hbm>>
        %dma_start3A_149 = tpu.memref_squeeze %dma_start3A_148 : memref<1x256x64xf32, #tpu.memory_space<hbm>> -> memref<256x64xf32, #tpu.memory_space<hbm>>
        %dma_start3A_150 = arith.constant 0 : i32
        %dma_start3A_151 = tpu.memref_slice %arg4[%add3A_123, %mul3A_145, %dma_start3A_150] : memref<25x8192x64xf32, #tpu.memory_space<hbm>> -> memref<1x256x64xf32, #tpu.memory_space<hbm>>
        %dma_start3A_152 = tpu.memref_squeeze %dma_start3A_151 : memref<1x256x64xf32, #tpu.memory_space<hbm>> -> memref<256x64xf32, #tpu.memory_space<hbm>>
        tpu.enqueue_dma source(%arg8 : memref<256x64xf32, #tpu.memory_space<vmem>>) target(%dma_start3A_152 : memref<256x64xf32, #tpu.memory_space<hbm>>) target_semaphore(%run_scoped3A_146 : memref<!tpu.dma_semaphore, #tpu.memory_space<semaphore_mem>>)
        %dma_wait3A_153 = arith.constant 0 : i32
        %dma_wait3A_154 = tpu.memref_slice %arg4[%add3A_123, %mul3A_145, %dma_wait3A_153] : memref<25x8192x64xf32, #tpu.memory_space<hbm>> -> memref<1x256x64xf32, #tpu.memory_space<hbm>>
        %dma_wait3A_155 = tpu.memref_squeeze %dma_wait3A_154 : memref<1x256x64xf32, #tpu.memory_space<hbm>> -> memref<256x64xf32, #tpu.memory_space<hbm>>
        %dma_wait3A_156 = arith.constant 0 : i32
        %dma_wait3A_157 = tpu.memref_slice %arg4[%add3A_123, %mul3A_145, %dma_wait3A_156] : memref<25x8192x64xf32, #tpu.memory_space<hbm>> -> memref<1x256x64xf32, #tpu.memory_space<hbm>>
        %dma_wait3A_158 = tpu.memref_squeeze %dma_wait3A_157 : memref<1x256x64xf32, #tpu.memory_space<hbm>> -> memref<256x64xf32, #tpu.memory_space<hbm>>
        tpu.wait_dma2 semaphore(%run_scoped3A_146 : memref<!tpu.dma_semaphore, #tpu.memory_space<semaphore_mem>>) src(%arg8 : memref<256x64xf32, #tpu.memory_space<vmem>>) dst(%dma_wait3A_158 : memref<256x64xf32, #tpu.memory_space<hbm>>)
        tpu.yield
      }) : () -> ()
    }
    %scan3A_26 = arith.constant 12 : i32
    %dma_wait3A = arith.constant 0 : i32
    %dma_wait3A_27 = arith.constant 0 : i32
    %dma_wait3A_28 = arith.constant 0 : i32
    %dma_wait3A_29 = tpu.memref_slice %arg7[%dma_wait3A_27, %dma_wait3A_28] : memref<256x64xf32, #tpu.memory_space<vmem>> -> memref<128x64xf32, #tpu.memory_space<vmem>>
    %dma_wait3A_30 = arith.constant 0 : i32
    %dma_wait3A_31 = tpu.memref_slice %arg5[%dma_wait3A, %dma_wait3A_30] : memref<2x128xi32, #tpu.memory_space<vmem>> -> memref<1x128xi32, #tpu.memory_space<vmem>>
    %dma_wait3A_32 = tpu.memref_squeeze %dma_wait3A_31 : memref<1x128xi32, #tpu.memory_space<vmem>> -> memref<128xi32, #tpu.memory_space<vmem>>
    %dma_wait3A_33 = arith.constant 0 : i32
    %dma_wait3A_34 = arith.constant 0 : i32
    %dma_wait3A_35 = tpu.memref_slice %arg2[%dma_wait3A_33, %dma_wait3A_34] : memref<1000000x64xf32, #tpu.memory_space<hbm>> -> memref<1000000x64xf32, #tpu.memory_space<hbm>>
    tpu.wait_indirect_dma semaphore(%arg9 : memref<!tpu.dma_semaphore, #tpu.memory_space<semaphore_mem>>) src(%dma_wait3A_35 : memref<1000000x64xf32, #tpu.memory_space<hbm>>) dst(%dma_wait3A_29 : memref<128x64xf32, #tpu.memory_space<vmem>>)
    %dma_wait3A_36 = arith.constant 1 : i32
    %dma_wait3A_37 = arith.constant 128 : i32
    %dma_wait3A_38 = arith.constant 0 : i32
    %dma_wait3A_39 = tpu.memref_slice %arg7[%dma_wait3A_37, %dma_wait3A_38] : memref<256x64xf32, #tpu.memory_space<vmem>> -> memref<128x64xf32, #tpu.memory_space<vmem>>
    %dma_wait3A_40 = arith.constant 0 : i32
    %dma_wait3A_41 = tpu.memref_slice %arg5[%dma_wait3A_36, %dma_wait3A_40] : memref<2x128xi32, #tpu.memory_space<vmem>> -> memref<1x128xi32, #tpu.memory_space<vmem>>
    %dma_wait3A_42 = tpu.memref_squeeze %dma_wait3A_41 : memref<1x128xi32, #tpu.memory_space<vmem>> -> memref<128xi32, #tpu.memory_space<vmem>>
    %dma_wait3A_43 = arith.constant 0 : i32
    %dma_wait3A_44 = arith.constant 0 : i32
    %dma_wait3A_45 = tpu.memref_slice %arg2[%dma_wait3A_43, %dma_wait3A_44] : memref<1000000x64xf32, #tpu.memory_space<hbm>> -> memref<1000000x64xf32, #tpu.memory_space<hbm>>
    tpu.wait_indirect_dma semaphore(%arg9 : memref<!tpu.dma_semaphore, #tpu.memory_space<semaphore_mem>>) src(%dma_wait3A_45 : memref<1000000x64xf32, #tpu.memory_space<hbm>>) dst(%dma_wait3A_39 : memref<128x64xf32, #tpu.memory_space<vmem>>)
    %mul3A_46 = arith.constant 256 : i32
    %mul3A_47 = arith.muli %mul3A_46, %add3A : i32
    %run_scoped3A_48 = arith.constant 24 : i32
    "tpu.region"() ({
      %run_scoped3A_49 = tpu.sem_alloc : memref<!tpu.dma_semaphore, #tpu.memory_space<semaphore_mem>>
      %dma_start3A_50 = arith.constant 0 : i32
      %dma_start3A_51 = tpu.memref_slice %arg4[%run_scoped3A_48, %mul3A_47, %dma_start3A_50] : memref<25x8192x64xf32, #tpu.memory_space<hbm>> -> memref<1x256x64xf32, #tpu.memory_space<hbm>>
      %dma_start3A_52 = tpu.memref_squeeze %dma_start3A_51 : memref<1x256x64xf32, #tpu.memory_space<hbm>> -> memref<256x64xf32, #tpu.memory_space<hbm>>
      %dma_start3A_53 = arith.constant 0 : i32
      %dma_start3A_54 = tpu.memref_slice %arg4[%run_scoped3A_48, %mul3A_47, %dma_start3A_53] : memref<25x8192x64xf32, #tpu.memory_space<hbm>> -> memref<1x256x64xf32, #tpu.memory_space<hbm>>
      %dma_start3A_55 = tpu.memref_squeeze %dma_start3A_54 : memref<1x256x64xf32, #tpu.memory_space<hbm>> -> memref<256x64xf32, #tpu.memory_space<hbm>>
      tpu.enqueue_dma source(%arg7 : memref<256x64xf32, #tpu.memory_space<vmem>>) target(%dma_start3A_55 : memref<256x64xf32, #tpu.memory_space<hbm>>) target_semaphore(%run_scoped3A_49 : memref<!tpu.dma_semaphore, #tpu.memory_space<semaphore_mem>>)
      %dma_wait3A_56 = arith.constant 0 : i32
      %dma_wait3A_57 = tpu.memref_slice %arg4[%run_scoped3A_48, %mul3A_47, %dma_wait3A_56] : memref<25x8192x64xf32, #tpu.memory_space<hbm>> -> memref<1x256x64xf32, #tpu.memory_space<hbm>>
      %dma_wait3A_58 = tpu.memref_squeeze %dma_wait3A_57 : memref<1x256x64xf32, #tpu.memory_space<hbm>> -> memref<256x64xf32, #tpu.memory_space<hbm>>
      %dma_wait3A_59 = arith.constant 0 : i32
      %dma_wait3A_60 = tpu.memref_slice %arg4[%run_scoped3A_48, %mul3A_47, %dma_wait3A_59] : memref<25x8192x64xf32, #tpu.memory_space<hbm>> -> memref<1x256x64xf32, #tpu.memory_space<hbm>>
      %dma_wait3A_61 = tpu.memref_squeeze %dma_wait3A_60 : memref<1x256x64xf32, #tpu.memory_space<hbm>> -> memref<256x64xf32, #tpu.memory_space<hbm>>
      tpu.wait_dma2 semaphore(%run_scoped3A_49 : memref<!tpu.dma_semaphore, #tpu.memory_space<semaphore_mem>>) src(%arg7 : memref<256x64xf32, #tpu.memory_space<vmem>>) dst(%dma_wait3A_61 : memref<256x64xf32, #tpu.memory_space<hbm>>)
      tpu.yield
    }) : () -> ()
    return
  }
}

module attributes {stable_mosaic.version = 14 : i64} {
  func.func @_dense_body(%arg0: i32, %arg1: memref<25x256x128xf32, #tpu.memory_space<vmem>>, %arg2: memref<256x64xf32, #tpu.memory_space<vmem>>, %arg3: memref<256x50xf32, #tpu.memory_space<vmem>>, %arg4: memref<64x64xf32, #tpu.memory_space<vmem>>, %arg5: memref<128x128xf32, #tpu.memory_space<vmem>>, %arg6: memref<3200x50xf32, #tpu.memory_space<vmem>>, %arg7: memref<50x3200xf32, #tpu.memory_space<vmem>>, %arg8: memref<256x50xf32, #tpu.memory_space<vmem>>, %arg9: memref<256x64xf32, #tpu.memory_space<vmem>>) attributes {dimension_semantics = [#tpu.dimension_semantics<arbitrary>], iteration_bounds = array<i64: 16>, scalar_prefetch = 0 : i64, scratch_operands = 0 : i64, tpu.core_type = #tpu.core_type<tc>, window_params = [{transform_indices = @transform_0, window_bounds = array<i64: 25, 256, 128>}, {transform_indices = @transform_1, window_bounds = array<i64: 256, 64>}, {transform_indices = @transform_2, window_bounds = array<i64: 256, 50>}, {pipeline_mode = #tpu.pipeline_mode<synchronous>, transform_indices = @transform_3, window_bounds = array<i64: 64, 64>}, {pipeline_mode = #tpu.pipeline_mode<synchronous>, transform_indices = @transform_4, window_bounds = array<i64: 128, 128>}, {pipeline_mode = #tpu.pipeline_mode<synchronous>, transform_indices = @transform_5, window_bounds = array<i64: 3200, 50>}, {pipeline_mode = #tpu.pipeline_mode<synchronous>, transform_indices = @transform_6, window_bounds = array<i64: 50, 3200>}, {transform_indices = @transform_7, window_bounds = array<i64: 256, 50>}, {transform_indices = @transform_8, window_bounds = array<i64: 256, 64>}]} {
    %get3A = arith.constant 0 : index
    %get3A_0 = arith.constant 0 : index
    %get3A_1 = vector.load %arg2[%get3A, %get3A_0] : memref<256x64xf32, #tpu.memory_space<vmem>>, vector<256x64xf32>
    %get3A_2 = arith.constant 0 : index
    %get3A_3 = arith.constant 0 : index
    %get3A_4 = vector.load %arg4[%get3A_2, %get3A_3] : memref<64x64xf32, #tpu.memory_space<vmem>>, vector<64x64xf32>
    %dot_general3A = arith.constant dense<0.000000e+00> : vector<256x64xf32>
    %dot_general3A_5 = tpu.matmul %get3A_1, %get3A_4, %dot_general3A {dimension_numbers = #tpu.dot_dimension_numbers<[1], [0], [0], [1], [0, 0, 1, 1], [], []>, transpose_lhs_hint = false} : vector<256x64xf32>, vector<64x64xf32>, vector<256x64xf32> -> vector<256x64xf32>
    %concatenate3A = tpu.concatenate %dot_general3A_5, %dot_general3A_5 in 1 : vector<256x64xf32>, vector<256x64xf32> -> vector<256x128xf32>
    %get3A_6 = arith.constant 0 : index
    %get3A_7 = arith.constant 0 : index
    %get3A_8 = arith.constant 0 : index
    %get3A_9 = vector.load %arg1[%get3A_6, %get3A_7, %get3A_8] : memref<25x256x128xf32, #tpu.memory_space<vmem>>, vector<1x256x128xf32>
    %get3A_10 = vector.shape_cast %get3A_9 : vector<1x256x128xf32> to vector<256x128xf32>
    %get3A_11 = arith.constant 0 : index
    %get3A_12 = arith.constant 0 : index
    %get3A_13 = vector.load %arg5[%get3A_11, %get3A_12] : memref<128x128xf32, #tpu.memory_space<vmem>>, vector<128x128xf32>
    %dot_general3A_14 = arith.constant dense<0.000000e+00> : vector<256x128xf32>
    %dot_general3A_15 = tpu.matmul %get3A_10, %get3A_13, %dot_general3A_14 {dimension_numbers = #tpu.dot_dimension_numbers<[1], [0], [0], [1], [0, 0, 1, 1], [], []>, transpose_lhs_hint = false} : vector<256x128xf32>, vector<128x128xf32>, vector<256x128xf32> -> vector<256x128xf32>
    %add3A = arith.addf %concatenate3A, %dot_general3A_15 : vector<256x128xf32>
    %tanh3A = math.tanh %add3A : vector<256x128xf32>
    %get3A_16 = arith.constant 1 : index
    %get3A_17 = arith.constant 0 : index
    %get3A_18 = arith.constant 0 : index
    %get3A_19 = vector.load %arg1[%get3A_16, %get3A_17, %get3A_18] : memref<25x256x128xf32, #tpu.memory_space<vmem>>, vector<1x256x128xf32>
    %get3A_20 = vector.shape_cast %get3A_19 : vector<1x256x128xf32> to vector<256x128xf32>
    %get3A_21 = arith.constant 0 : index
    %get3A_22 = arith.constant 0 : index
    %get3A_23 = vector.load %arg5[%get3A_21, %get3A_22] : memref<128x128xf32, #tpu.memory_space<vmem>>, vector<128x128xf32>
    %dot_general3A_24 = arith.constant dense<0.000000e+00> : vector<256x128xf32>
    %dot_general3A_25 = tpu.matmul %get3A_20, %get3A_23, %dot_general3A_24 {dimension_numbers = #tpu.dot_dimension_numbers<[1], [0], [0], [1], [0, 0, 1, 1], [], []>, transpose_lhs_hint = false} : vector<256x128xf32>, vector<128x128xf32>, vector<256x128xf32> -> vector<256x128xf32>
    %add3A_26 = arith.addf %concatenate3A, %dot_general3A_25 : vector<256x128xf32>
    %tanh3A_27 = math.tanh %add3A_26 : vector<256x128xf32>
    %get3A_28 = arith.constant 2 : index
    %get3A_29 = arith.constant 0 : index
    %get3A_30 = arith.constant 0 : index
    %get3A_31 = vector.load %arg1[%get3A_28, %get3A_29, %get3A_30] : memref<25x256x128xf32, #tpu.memory_space<vmem>>, vector<1x256x128xf32>
    %get3A_32 = vector.shape_cast %get3A_31 : vector<1x256x128xf32> to vector<256x128xf32>
    %get3A_33 = arith.constant 0 : index
    %get3A_34 = arith.constant 0 : index
    %get3A_35 = vector.load %arg5[%get3A_33, %get3A_34] : memref<128x128xf32, #tpu.memory_space<vmem>>, vector<128x128xf32>
    %dot_general3A_36 = arith.constant dense<0.000000e+00> : vector<256x128xf32>
    %dot_general3A_37 = tpu.matmul %get3A_32, %get3A_35, %dot_general3A_36 {dimension_numbers = #tpu.dot_dimension_numbers<[1], [0], [0], [1], [0, 0, 1, 1], [], []>, transpose_lhs_hint = false} : vector<256x128xf32>, vector<128x128xf32>, vector<256x128xf32> -> vector<256x128xf32>
    %add3A_38 = arith.addf %concatenate3A, %dot_general3A_37 : vector<256x128xf32>
    %tanh3A_39 = math.tanh %add3A_38 : vector<256x128xf32>
    %get3A_40 = arith.constant 3 : index
    %get3A_41 = arith.constant 0 : index
    %get3A_42 = arith.constant 0 : index
    %get3A_43 = vector.load %arg1[%get3A_40, %get3A_41, %get3A_42] : memref<25x256x128xf32, #tpu.memory_space<vmem>>, vector<1x256x128xf32>
    %get3A_44 = vector.shape_cast %get3A_43 : vector<1x256x128xf32> to vector<256x128xf32>
    %get3A_45 = arith.constant 0 : index
    %get3A_46 = arith.constant 0 : index
    %get3A_47 = vector.load %arg5[%get3A_45, %get3A_46] : memref<128x128xf32, #tpu.memory_space<vmem>>, vector<128x128xf32>
    %dot_general3A_48 = arith.constant dense<0.000000e+00> : vector<256x128xf32>
    %dot_general3A_49 = tpu.matmul %get3A_44, %get3A_47, %dot_general3A_48 {dimension_numbers = #tpu.dot_dimension_numbers<[1], [0], [0], [1], [0, 0, 1, 1], [], []>, transpose_lhs_hint = false} : vector<256x128xf32>, vector<128x128xf32>, vector<256x128xf32> -> vector<256x128xf32>
    %add3A_50 = arith.addf %concatenate3A, %dot_general3A_49 : vector<256x128xf32>
    %tanh3A_51 = math.tanh %add3A_50 : vector<256x128xf32>
    %get3A_52 = arith.constant 4 : index
    %get3A_53 = arith.constant 0 : index
    %get3A_54 = arith.constant 0 : index
    %get3A_55 = vector.load %arg1[%get3A_52, %get3A_53, %get3A_54] : memref<25x256x128xf32, #tpu.memory_space<vmem>>, vector<1x256x128xf32>
    %get3A_56 = vector.shape_cast %get3A_55 : vector<1x256x128xf32> to vector<256x128xf32>
    %get3A_57 = arith.constant 0 : index
    %get3A_58 = arith.constant 0 : index
    %get3A_59 = vector.load %arg5[%get3A_57, %get3A_58] : memref<128x128xf32, #tpu.memory_space<vmem>>, vector<128x128xf32>
    %dot_general3A_60 = arith.constant dense<0.000000e+00> : vector<256x128xf32>
    %dot_general3A_61 = tpu.matmul %get3A_56, %get3A_59, %dot_general3A_60 {dimension_numbers = #tpu.dot_dimension_numbers<[1], [0], [0], [1], [0, 0, 1, 1], [], []>, transpose_lhs_hint = false} : vector<256x128xf32>, vector<128x128xf32>, vector<256x128xf32> -> vector<256x128xf32>
    %add3A_62 = arith.addf %concatenate3A, %dot_general3A_61 : vector<256x128xf32>
    %tanh3A_63 = math.tanh %add3A_62 : vector<256x128xf32>
    %get3A_64 = arith.constant 5 : index
    %get3A_65 = arith.constant 0 : index
    %get3A_66 = arith.constant 0 : index
    %get3A_67 = vector.load %arg1[%get3A_64, %get3A_65, %get3A_66] : memref<25x256x128xf32, #tpu.memory_space<vmem>>, vector<1x256x128xf32>
    %get3A_68 = vector.shape_cast %get3A_67 : vector<1x256x128xf32> to vector<256x128xf32>
    %get3A_69 = arith.constant 0 : index
    %get3A_70 = arith.constant 0 : index
    %get3A_71 = vector.load %arg5[%get3A_69, %get3A_70] : memref<128x128xf32, #tpu.memory_space<vmem>>, vector<128x128xf32>
    %dot_general3A_72 = arith.constant dense<0.000000e+00> : vector<256x128xf32>
    %dot_general3A_73 = tpu.matmul %get3A_68, %get3A_71, %dot_general3A_72 {dimension_numbers = #tpu.dot_dimension_numbers<[1], [0], [0], [1], [0, 0, 1, 1], [], []>, transpose_lhs_hint = false} : vector<256x128xf32>, vector<128x128xf32>, vector<256x128xf32> -> vector<256x128xf32>
    %add3A_74 = arith.addf %concatenate3A, %dot_general3A_73 : vector<256x128xf32>
    %tanh3A_75 = math.tanh %add3A_74 : vector<256x128xf32>
    %get3A_76 = arith.constant 6 : index
    %get3A_77 = arith.constant 0 : index
    %get3A_78 = arith.constant 0 : index
    %get3A_79 = vector.load %arg1[%get3A_76, %get3A_77, %get3A_78] : memref<25x256x128xf32, #tpu.memory_space<vmem>>, vector<1x256x128xf32>
    %get3A_80 = vector.shape_cast %get3A_79 : vector<1x256x128xf32> to vector<256x128xf32>
    %get3A_81 = arith.constant 0 : index
    %get3A_82 = arith.constant 0 : index
    %get3A_83 = vector.load %arg5[%get3A_81, %get3A_82] : memref<128x128xf32, #tpu.memory_space<vmem>>, vector<128x128xf32>
    %dot_general3A_84 = arith.constant dense<0.000000e+00> : vector<256x128xf32>
    %dot_general3A_85 = tpu.matmul %get3A_80, %get3A_83, %dot_general3A_84 {dimension_numbers = #tpu.dot_dimension_numbers<[1], [0], [0], [1], [0, 0, 1, 1], [], []>, transpose_lhs_hint = false} : vector<256x128xf32>, vector<128x128xf32>, vector<256x128xf32> -> vector<256x128xf32>
    %add3A_86 = arith.addf %concatenate3A, %dot_general3A_85 : vector<256x128xf32>
    %tanh3A_87 = math.tanh %add3A_86 : vector<256x128xf32>
    %get3A_88 = arith.constant 7 : index
    %get3A_89 = arith.constant 0 : index
    %get3A_90 = arith.constant 0 : index
    %get3A_91 = vector.load %arg1[%get3A_88, %get3A_89, %get3A_90] : memref<25x256x128xf32, #tpu.memory_space<vmem>>, vector<1x256x128xf32>
    %get3A_92 = vector.shape_cast %get3A_91 : vector<1x256x128xf32> to vector<256x128xf32>
    %get3A_93 = arith.constant 0 : index
    %get3A_94 = arith.constant 0 : index
    %get3A_95 = vector.load %arg5[%get3A_93, %get3A_94] : memref<128x128xf32, #tpu.memory_space<vmem>>, vector<128x128xf32>
    %dot_general3A_96 = arith.constant dense<0.000000e+00> : vector<256x128xf32>
    %dot_general3A_97 = tpu.matmul %get3A_92, %get3A_95, %dot_general3A_96 {dimension_numbers = #tpu.dot_dimension_numbers<[1], [0], [0], [1], [0, 0, 1, 1], [], []>, transpose_lhs_hint = false} : vector<256x128xf32>, vector<128x128xf32>, vector<256x128xf32> -> vector<256x128xf32>
    %add3A_98 = arith.addf %concatenate3A, %dot_general3A_97 : vector<256x128xf32>
    %tanh3A_99 = math.tanh %add3A_98 : vector<256x128xf32>
    %get3A_100 = arith.constant 8 : index
    %get3A_101 = arith.constant 0 : index
    %get3A_102 = arith.constant 0 : index
    %get3A_103 = vector.load %arg1[%get3A_100, %get3A_101, %get3A_102] : memref<25x256x128xf32, #tpu.memory_space<vmem>>, vector<1x256x128xf32>
    %get3A_104 = vector.shape_cast %get3A_103 : vector<1x256x128xf32> to vector<256x128xf32>
    %get3A_105 = arith.constant 0 : index
    %get3A_106 = arith.constant 0 : index
    %get3A_107 = vector.load %arg5[%get3A_105, %get3A_106] : memref<128x128xf32, #tpu.memory_space<vmem>>, vector<128x128xf32>
    %dot_general3A_108 = arith.constant dense<0.000000e+00> : vector<256x128xf32>
    %dot_general3A_109 = tpu.matmul %get3A_104, %get3A_107, %dot_general3A_108 {dimension_numbers = #tpu.dot_dimension_numbers<[1], [0], [0], [1], [0, 0, 1, 1], [], []>, transpose_lhs_hint = false} : vector<256x128xf32>, vector<128x128xf32>, vector<256x128xf32> -> vector<256x128xf32>
    %add3A_110 = arith.addf %concatenate3A, %dot_general3A_109 : vector<256x128xf32>
    %tanh3A_111 = math.tanh %add3A_110 : vector<256x128xf32>
    %get3A_112 = arith.constant 9 : index
    %get3A_113 = arith.constant 0 : index
    %get3A_114 = arith.constant 0 : index
    %get3A_115 = vector.load %arg1[%get3A_112, %get3A_113, %get3A_114] : memref<25x256x128xf32, #tpu.memory_space<vmem>>, vector<1x256x128xf32>
    %get3A_116 = vector.shape_cast %get3A_115 : vector<1x256x128xf32> to vector<256x128xf32>
    %get3A_117 = arith.constant 0 : index
    %get3A_118 = arith.constant 0 : index
    %get3A_119 = vector.load %arg5[%get3A_117, %get3A_118] : memref<128x128xf32, #tpu.memory_space<vmem>>, vector<128x128xf32>
    %dot_general3A_120 = arith.constant dense<0.000000e+00> : vector<256x128xf32>
    %dot_general3A_121 = tpu.matmul %get3A_116, %get3A_119, %dot_general3A_120 {dimension_numbers = #tpu.dot_dimension_numbers<[1], [0], [0], [1], [0, 0, 1, 1], [], []>, transpose_lhs_hint = false} : vector<256x128xf32>, vector<128x128xf32>, vector<256x128xf32> -> vector<256x128xf32>
    %add3A_122 = arith.addf %concatenate3A, %dot_general3A_121 : vector<256x128xf32>
    %tanh3A_123 = math.tanh %add3A_122 : vector<256x128xf32>
    %get3A_124 = arith.constant 10 : index
    %get3A_125 = arith.constant 0 : index
    %get3A_126 = arith.constant 0 : index
    %get3A_127 = vector.load %arg1[%get3A_124, %get3A_125, %get3A_126] : memref<25x256x128xf32, #tpu.memory_space<vmem>>, vector<1x256x128xf32>
    %get3A_128 = vector.shape_cast %get3A_127 : vector<1x256x128xf32> to vector<256x128xf32>
    %get3A_129 = arith.constant 0 : index
    %get3A_130 = arith.constant 0 : index
    %get3A_131 = vector.load %arg5[%get3A_129, %get3A_130] : memref<128x128xf32, #tpu.memory_space<vmem>>, vector<128x128xf32>
    %dot_general3A_132 = arith.constant dense<0.000000e+00> : vector<256x128xf32>
    %dot_general3A_133 = tpu.matmul %get3A_128, %get3A_131, %dot_general3A_132 {dimension_numbers = #tpu.dot_dimension_numbers<[1], [0], [0], [1], [0, 0, 1, 1], [], []>, transpose_lhs_hint = false} : vector<256x128xf32>, vector<128x128xf32>, vector<256x128xf32> -> vector<256x128xf32>
    %add3A_134 = arith.addf %concatenate3A, %dot_general3A_133 : vector<256x128xf32>
    %tanh3A_135 = math.tanh %add3A_134 : vector<256x128xf32>
    %get3A_136 = arith.constant 11 : index
    %get3A_137 = arith.constant 0 : index
    %get3A_138 = arith.constant 0 : index
    %get3A_139 = vector.load %arg1[%get3A_136, %get3A_137, %get3A_138] : memref<25x256x128xf32, #tpu.memory_space<vmem>>, vector<1x256x128xf32>
    %get3A_140 = vector.shape_cast %get3A_139 : vector<1x256x128xf32> to vector<256x128xf32>
    %get3A_141 = arith.constant 0 : index
    %get3A_142 = arith.constant 0 : index
    %get3A_143 = vector.load %arg5[%get3A_141, %get3A_142] : memref<128x128xf32, #tpu.memory_space<vmem>>, vector<128x128xf32>
    %dot_general3A_144 = arith.constant dense<0.000000e+00> : vector<256x128xf32>
    %dot_general3A_145 = tpu.matmul %get3A_140, %get3A_143, %dot_general3A_144 {dimension_numbers = #tpu.dot_dimension_numbers<[1], [0], [0], [1], [0, 0, 1, 1], [], []>, transpose_lhs_hint = false} : vector<256x128xf32>, vector<128x128xf32>, vector<256x128xf32> -> vector<256x128xf32>
    %add3A_146 = arith.addf %concatenate3A, %dot_general3A_145 : vector<256x128xf32>
    %tanh3A_147 = math.tanh %add3A_146 : vector<256x128xf32>
    %get3A_148 = arith.constant 12 : index
    %get3A_149 = arith.constant 0 : index
    %get3A_150 = arith.constant 0 : index
    %get3A_151 = vector.load %arg1[%get3A_148, %get3A_149, %get3A_150] : memref<25x256x128xf32, #tpu.memory_space<vmem>>, vector<1x256x128xf32>
    %get3A_152 = vector.shape_cast %get3A_151 : vector<1x256x128xf32> to vector<256x128xf32>
    %get3A_153 = arith.constant 0 : index
    %get3A_154 = arith.constant 0 : index
    %get3A_155 = vector.load %arg5[%get3A_153, %get3A_154] : memref<128x128xf32, #tpu.memory_space<vmem>>, vector<128x128xf32>
    %dot_general3A_156 = arith.constant dense<0.000000e+00> : vector<256x128xf32>
    %dot_general3A_157 = tpu.matmul %get3A_152, %get3A_155, %dot_general3A_156 {dimension_numbers = #tpu.dot_dimension_numbers<[1], [0], [0], [1], [0, 0, 1, 1], [], []>, transpose_lhs_hint = false} : vector<256x128xf32>, vector<128x128xf32>, vector<256x128xf32> -> vector<256x128xf32>
    %add3A_158 = arith.addf %concatenate3A, %dot_general3A_157 : vector<256x128xf32>
    %tanh3A_159 = math.tanh %add3A_158 : vector<256x128xf32>
    %get3A_160 = arith.constant 13 : index
    %get3A_161 = arith.constant 0 : index
    %get3A_162 = arith.constant 0 : index
    %get3A_163 = vector.load %arg1[%get3A_160, %get3A_161, %get3A_162] : memref<25x256x128xf32, #tpu.memory_space<vmem>>, vector<1x256x128xf32>
    %get3A_164 = vector.shape_cast %get3A_163 : vector<1x256x128xf32> to vector<256x128xf32>
    %get3A_165 = arith.constant 0 : index
    %get3A_166 = arith.constant 0 : index
    %get3A_167 = vector.load %arg5[%get3A_165, %get3A_166] : memref<128x128xf32, #tpu.memory_space<vmem>>, vector<128x128xf32>
    %dot_general3A_168 = arith.constant dense<0.000000e+00> : vector<256x128xf32>
    %dot_general3A_169 = tpu.matmul %get3A_164, %get3A_167, %dot_general3A_168 {dimension_numbers = #tpu.dot_dimension_numbers<[1], [0], [0], [1], [0, 0, 1, 1], [], []>, transpose_lhs_hint = false} : vector<256x128xf32>, vector<128x128xf32>, vector<256x128xf32> -> vector<256x128xf32>
    %add3A_170 = arith.addf %concatenate3A, %dot_general3A_169 : vector<256x128xf32>
    %tanh3A_171 = math.tanh %add3A_170 : vector<256x128xf32>
    %get3A_172 = arith.constant 14 : index
    %get3A_173 = arith.constant 0 : index
    %get3A_174 = arith.constant 0 : index
    %get3A_175 = vector.load %arg1[%get3A_172, %get3A_173, %get3A_174] : memref<25x256x128xf32, #tpu.memory_space<vmem>>, vector<1x256x128xf32>
    %get3A_176 = vector.shape_cast %get3A_175 : vector<1x256x128xf32> to vector<256x128xf32>
    %get3A_177 = arith.constant 0 : index
    %get3A_178 = arith.constant 0 : index
    %get3A_179 = vector.load %arg5[%get3A_177, %get3A_178] : memref<128x128xf32, #tpu.memory_space<vmem>>, vector<128x128xf32>
    %dot_general3A_180 = arith.constant dense<0.000000e+00> : vector<256x128xf32>
    %dot_general3A_181 = tpu.matmul %get3A_176, %get3A_179, %dot_general3A_180 {dimension_numbers = #tpu.dot_dimension_numbers<[1], [0], [0], [1], [0, 0, 1, 1], [], []>, transpose_lhs_hint = false} : vector<256x128xf32>, vector<128x128xf32>, vector<256x128xf32> -> vector<256x128xf32>
    %add3A_182 = arith.addf %concatenate3A, %dot_general3A_181 : vector<256x128xf32>
    %tanh3A_183 = math.tanh %add3A_182 : vector<256x128xf32>
    %get3A_184 = arith.constant 15 : index
    %get3A_185 = arith.constant 0 : index
    %get3A_186 = arith.constant 0 : index
    %get3A_187 = vector.load %arg1[%get3A_184, %get3A_185, %get3A_186] : memref<25x256x128xf32, #tpu.memory_space<vmem>>, vector<1x256x128xf32>
    %get3A_188 = vector.shape_cast %get3A_187 : vector<1x256x128xf32> to vector<256x128xf32>
    %get3A_189 = arith.constant 0 : index
    %get3A_190 = arith.constant 0 : index
    %get3A_191 = vector.load %arg5[%get3A_189, %get3A_190] : memref<128x128xf32, #tpu.memory_space<vmem>>, vector<128x128xf32>
    %dot_general3A_192 = arith.constant dense<0.000000e+00> : vector<256x128xf32>
    %dot_general3A_193 = tpu.matmul %get3A_188, %get3A_191, %dot_general3A_192 {dimension_numbers = #tpu.dot_dimension_numbers<[1], [0], [0], [1], [0, 0, 1, 1], [], []>, transpose_lhs_hint = false} : vector<256x128xf32>, vector<128x128xf32>, vector<256x128xf32> -> vector<256x128xf32>
    %add3A_194 = arith.addf %concatenate3A, %dot_general3A_193 : vector<256x128xf32>
    %tanh3A_195 = math.tanh %add3A_194 : vector<256x128xf32>
    %get3A_196 = arith.constant 16 : index
    %get3A_197 = arith.constant 0 : index
    %get3A_198 = arith.constant 0 : index
    %get3A_199 = vector.load %arg1[%get3A_196, %get3A_197, %get3A_198] : memref<25x256x128xf32, #tpu.memory_space<vmem>>, vector<1x256x128xf32>
    %get3A_200 = vector.shape_cast %get3A_199 : vector<1x256x128xf32> to vector<256x128xf32>
    %get3A_201 = arith.constant 0 : index
    %get3A_202 = arith.constant 0 : index
    %get3A_203 = vector.load %arg5[%get3A_201, %get3A_202] : memref<128x128xf32, #tpu.memory_space<vmem>>, vector<128x128xf32>
    %dot_general3A_204 = arith.constant dense<0.000000e+00> : vector<256x128xf32>
    %dot_general3A_205 = tpu.matmul %get3A_200, %get3A_203, %dot_general3A_204 {dimension_numbers = #tpu.dot_dimension_numbers<[1], [0], [0], [1], [0, 0, 1, 1], [], []>, transpose_lhs_hint = false} : vector<256x128xf32>, vector<128x128xf32>, vector<256x128xf32> -> vector<256x128xf32>
    %add3A_206 = arith.addf %concatenate3A, %dot_general3A_205 : vector<256x128xf32>
    %tanh3A_207 = math.tanh %add3A_206 : vector<256x128xf32>
    %get3A_208 = arith.constant 17 : index
    %get3A_209 = arith.constant 0 : index
    %get3A_210 = arith.constant 0 : index
    %get3A_211 = vector.load %arg1[%get3A_208, %get3A_209, %get3A_210] : memref<25x256x128xf32, #tpu.memory_space<vmem>>, vector<1x256x128xf32>
    %get3A_212 = vector.shape_cast %get3A_211 : vector<1x256x128xf32> to vector<256x128xf32>
    %get3A_213 = arith.constant 0 : index
    %get3A_214 = arith.constant 0 : index
    %get3A_215 = vector.load %arg5[%get3A_213, %get3A_214] : memref<128x128xf32, #tpu.memory_space<vmem>>, vector<128x128xf32>
    %dot_general3A_216 = arith.constant dense<0.000000e+00> : vector<256x128xf32>
    %dot_general3A_217 = tpu.matmul %get3A_212, %get3A_215, %dot_general3A_216 {dimension_numbers = #tpu.dot_dimension_numbers<[1], [0], [0], [1], [0, 0, 1, 1], [], []>, transpose_lhs_hint = false} : vector<256x128xf32>, vector<128x128xf32>, vector<256x128xf32> -> vector<256x128xf32>
    %add3A_218 = arith.addf %concatenate3A, %dot_general3A_217 : vector<256x128xf32>
    %tanh3A_219 = math.tanh %add3A_218 : vector<256x128xf32>
    %get3A_220 = arith.constant 18 : index
    %get3A_221 = arith.constant 0 : index
    %get3A_222 = arith.constant 0 : index
    %get3A_223 = vector.load %arg1[%get3A_220, %get3A_221, %get3A_222] : memref<25x256x128xf32, #tpu.memory_space<vmem>>, vector<1x256x128xf32>
    %get3A_224 = vector.shape_cast %get3A_223 : vector<1x256x128xf32> to vector<256x128xf32>
    %get3A_225 = arith.constant 0 : index
    %get3A_226 = arith.constant 0 : index
    %get3A_227 = vector.load %arg5[%get3A_225, %get3A_226] : memref<128x128xf32, #tpu.memory_space<vmem>>, vector<128x128xf32>
    %dot_general3A_228 = arith.constant dense<0.000000e+00> : vector<256x128xf32>
    %dot_general3A_229 = tpu.matmul %get3A_224, %get3A_227, %dot_general3A_228 {dimension_numbers = #tpu.dot_dimension_numbers<[1], [0], [0], [1], [0, 0, 1, 1], [], []>, transpose_lhs_hint = false} : vector<256x128xf32>, vector<128x128xf32>, vector<256x128xf32> -> vector<256x128xf32>
    %add3A_230 = arith.addf %concatenate3A, %dot_general3A_229 : vector<256x128xf32>
    %tanh3A_231 = math.tanh %add3A_230 : vector<256x128xf32>
    %get3A_232 = arith.constant 19 : index
    %get3A_233 = arith.constant 0 : index
    %get3A_234 = arith.constant 0 : index
    %get3A_235 = vector.load %arg1[%get3A_232, %get3A_233, %get3A_234] : memref<25x256x128xf32, #tpu.memory_space<vmem>>, vector<1x256x128xf32>
    %get3A_236 = vector.shape_cast %get3A_235 : vector<1x256x128xf32> to vector<256x128xf32>
    %get3A_237 = arith.constant 0 : index
    %get3A_238 = arith.constant 0 : index
    %get3A_239 = vector.load %arg5[%get3A_237, %get3A_238] : memref<128x128xf32, #tpu.memory_space<vmem>>, vector<128x128xf32>
    %dot_general3A_240 = arith.constant dense<0.000000e+00> : vector<256x128xf32>
    %dot_general3A_241 = tpu.matmul %get3A_236, %get3A_239, %dot_general3A_240 {dimension_numbers = #tpu.dot_dimension_numbers<[1], [0], [0], [1], [0, 0, 1, 1], [], []>, transpose_lhs_hint = false} : vector<256x128xf32>, vector<128x128xf32>, vector<256x128xf32> -> vector<256x128xf32>
    %add3A_242 = arith.addf %concatenate3A, %dot_general3A_241 : vector<256x128xf32>
    %tanh3A_243 = math.tanh %add3A_242 : vector<256x128xf32>
    %get3A_244 = arith.constant 20 : index
    %get3A_245 = arith.constant 0 : index
    %get3A_246 = arith.constant 0 : index
    %get3A_247 = vector.load %arg1[%get3A_244, %get3A_245, %get3A_246] : memref<25x256x128xf32, #tpu.memory_space<vmem>>, vector<1x256x128xf32>
    %get3A_248 = vector.shape_cast %get3A_247 : vector<1x256x128xf32> to vector<256x128xf32>
    %get3A_249 = arith.constant 0 : index
    %get3A_250 = arith.constant 0 : index
    %get3A_251 = vector.load %arg5[%get3A_249, %get3A_250] : memref<128x128xf32, #tpu.memory_space<vmem>>, vector<128x128xf32>
    %dot_general3A_252 = arith.constant dense<0.000000e+00> : vector<256x128xf32>
    %dot_general3A_253 = tpu.matmul %get3A_248, %get3A_251, %dot_general3A_252 {dimension_numbers = #tpu.dot_dimension_numbers<[1], [0], [0], [1], [0, 0, 1, 1], [], []>, transpose_lhs_hint = false} : vector<256x128xf32>, vector<128x128xf32>, vector<256x128xf32> -> vector<256x128xf32>
    %add3A_254 = arith.addf %concatenate3A, %dot_general3A_253 : vector<256x128xf32>
    %tanh3A_255 = math.tanh %add3A_254 : vector<256x128xf32>
    %get3A_256 = arith.constant 21 : index
    %get3A_257 = arith.constant 0 : index
    %get3A_258 = arith.constant 0 : index
    %get3A_259 = vector.load %arg1[%get3A_256, %get3A_257, %get3A_258] : memref<25x256x128xf32, #tpu.memory_space<vmem>>, vector<1x256x128xf32>
    %get3A_260 = vector.shape_cast %get3A_259 : vector<1x256x128xf32> to vector<256x128xf32>
    %get3A_261 = arith.constant 0 : index
    %get3A_262 = arith.constant 0 : index
    %get3A_263 = vector.load %arg5[%get3A_261, %get3A_262] : memref<128x128xf32, #tpu.memory_space<vmem>>, vector<128x128xf32>
    %dot_general3A_264 = arith.constant dense<0.000000e+00> : vector<256x128xf32>
    %dot_general3A_265 = tpu.matmul %get3A_260, %get3A_263, %dot_general3A_264 {dimension_numbers = #tpu.dot_dimension_numbers<[1], [0], [0], [1], [0, 0, 1, 1], [], []>, transpose_lhs_hint = false} : vector<256x128xf32>, vector<128x128xf32>, vector<256x128xf32> -> vector<256x128xf32>
    %add3A_266 = arith.addf %concatenate3A, %dot_general3A_265 : vector<256x128xf32>
    %tanh3A_267 = math.tanh %add3A_266 : vector<256x128xf32>
    %get3A_268 = arith.constant 22 : index
    %get3A_269 = arith.constant 0 : index
    %get3A_270 = arith.constant 0 : index
    %get3A_271 = vector.load %arg1[%get3A_268, %get3A_269, %get3A_270] : memref<25x256x128xf32, #tpu.memory_space<vmem>>, vector<1x256x128xf32>
    %get3A_272 = vector.shape_cast %get3A_271 : vector<1x256x128xf32> to vector<256x128xf32>
    %get3A_273 = arith.constant 0 : index
    %get3A_274 = arith.constant 0 : index
    %get3A_275 = vector.load %arg5[%get3A_273, %get3A_274] : memref<128x128xf32, #tpu.memory_space<vmem>>, vector<128x128xf32>
    %dot_general3A_276 = arith.constant dense<0.000000e+00> : vector<256x128xf32>
    %dot_general3A_277 = tpu.matmul %get3A_272, %get3A_275, %dot_general3A_276 {dimension_numbers = #tpu.dot_dimension_numbers<[1], [0], [0], [1], [0, 0, 1, 1], [], []>, transpose_lhs_hint = false} : vector<256x128xf32>, vector<128x128xf32>, vector<256x128xf32> -> vector<256x128xf32>
    %add3A_278 = arith.addf %concatenate3A, %dot_general3A_277 : vector<256x128xf32>
    %tanh3A_279 = math.tanh %add3A_278 : vector<256x128xf32>
    %get3A_280 = arith.constant 23 : index
    %get3A_281 = arith.constant 0 : index
    %get3A_282 = arith.constant 0 : index
    %get3A_283 = vector.load %arg1[%get3A_280, %get3A_281, %get3A_282] : memref<25x256x128xf32, #tpu.memory_space<vmem>>, vector<1x256x128xf32>
    %get3A_284 = vector.shape_cast %get3A_283 : vector<1x256x128xf32> to vector<256x128xf32>
    %get3A_285 = arith.constant 0 : index
    %get3A_286 = arith.constant 0 : index
    %get3A_287 = vector.load %arg5[%get3A_285, %get3A_286] : memref<128x128xf32, #tpu.memory_space<vmem>>, vector<128x128xf32>
    %dot_general3A_288 = arith.constant dense<0.000000e+00> : vector<256x128xf32>
    %dot_general3A_289 = tpu.matmul %get3A_284, %get3A_287, %dot_general3A_288 {dimension_numbers = #tpu.dot_dimension_numbers<[1], [0], [0], [1], [0, 0, 1, 1], [], []>, transpose_lhs_hint = false} : vector<256x128xf32>, vector<128x128xf32>, vector<256x128xf32> -> vector<256x128xf32>
    %add3A_290 = arith.addf %concatenate3A, %dot_general3A_289 : vector<256x128xf32>
    %tanh3A_291 = math.tanh %add3A_290 : vector<256x128xf32>
    %get3A_292 = arith.constant 24 : index
    %get3A_293 = arith.constant 0 : index
    %get3A_294 = arith.constant 0 : index
    %get3A_295 = vector.load %arg1[%get3A_292, %get3A_293, %get3A_294] : memref<25x256x128xf32, #tpu.memory_space<vmem>>, vector<1x256x128xf32>
    %get3A_296 = vector.shape_cast %get3A_295 : vector<1x256x128xf32> to vector<256x128xf32>
    %get3A_297 = arith.constant 0 : index
    %get3A_298 = arith.constant 0 : index
    %get3A_299 = vector.load %arg5[%get3A_297, %get3A_298] : memref<128x128xf32, #tpu.memory_space<vmem>>, vector<128x128xf32>
    %dot_general3A_300 = arith.constant dense<0.000000e+00> : vector<256x128xf32>
    %dot_general3A_301 = tpu.matmul %get3A_296, %get3A_299, %dot_general3A_300 {dimension_numbers = #tpu.dot_dimension_numbers<[1], [0], [0], [1], [0, 0, 1, 1], [], []>, transpose_lhs_hint = false} : vector<256x128xf32>, vector<128x128xf32>, vector<256x128xf32> -> vector<256x128xf32>
    %add3A_302 = arith.addf %concatenate3A, %dot_general3A_301 : vector<256x128xf32>
    %tanh3A_303 = math.tanh %add3A_302 : vector<256x128xf32>
    %concatenate3A_304 = tpu.concatenate %tanh3A, %tanh3A_27, %tanh3A_39, %tanh3A_51, %tanh3A_63, %tanh3A_75, %tanh3A_87, %tanh3A_99, %tanh3A_111, %tanh3A_123, %tanh3A_135, %tanh3A_147, %tanh3A_159, %tanh3A_171, %tanh3A_183, %tanh3A_195, %tanh3A_207, %tanh3A_219, %tanh3A_231, %tanh3A_243, %tanh3A_255, %tanh3A_267, %tanh3A_279, %tanh3A_291, %tanh3A_303 in 1 : vector<256x128xf32>, vector<256x128xf32>, vector<256x128xf32>, vector<256x128xf32>, vector<256x128xf32>, vector<256x128xf32>, vector<256x128xf32>, vector<256x128xf32>, vector<256x128xf32>, vector<256x128xf32>, vector<256x128xf32>, vector<256x128xf32>, vector<256x128xf32>, vector<256x128xf32>, vector<256x128xf32>, vector<256x128xf32>, vector<256x128xf32>, vector<256x128xf32>, vector<256x128xf32>, vector<256x128xf32>, vector<256x128xf32>, vector<256x128xf32>, vector<256x128xf32>, vector<256x128xf32>, vector<256x128xf32> -> vector<256x3200xf32>
    %get3A_305 = arith.constant 0 : index
    %get3A_306 = arith.constant 0 : index
    %get3A_307 = vector.load %arg6[%get3A_305, %get3A_306] : memref<3200x50xf32, #tpu.memory_space<vmem>>, vector<3200x50xf32>
    %dot_general3A_308 = arith.constant dense<0.000000e+00> : vector<256x50xf32>
    %dot_general3A_309 = tpu.matmul %concatenate3A_304, %get3A_307, %dot_general3A_308 {dimension_numbers = #tpu.dot_dimension_numbers<[1], [0], [0], [1], [0, 0, 1, 1], [], []>, transpose_lhs_hint = false} : vector<256x3200xf32>, vector<3200x50xf32>, vector<256x50xf32> -> vector<256x50xf32>
    %reduce_max3A = arith.constant dense<0xFF800000> : vector<256xf32>
    %reduce_max3A_310 = vector.multi_reduction <maximumf>, %dot_general3A_309, %reduce_max3A [1] : vector<256x50xf32> to vector<256xf32>
    %broadcast_in_dim3A = vector.shape_cast %reduce_max3A_310 : vector<256xf32> to vector<256x1xf32>
    %sub3A = vector.broadcast %broadcast_in_dim3A : vector<256x1xf32> to vector<256x50xf32>
    %sub3A_311 = arith.subf %dot_general3A_309, %sub3A : vector<256x50xf32>
    %exp3A = math.exp %sub3A_311 : vector<256x50xf32>
    %reduce_sum3A = arith.constant dense<0.000000e+00> : vector<256xf32>
    %reduce_sum3A_312 = vector.multi_reduction <add>, %exp3A, %reduce_sum3A [1] : vector<256x50xf32> to vector<256xf32>
    %broadcast_in_dim3A_313 = vector.shape_cast %reduce_sum3A_312 : vector<256xf32> to vector<256x1xf32>
    %div3A = vector.broadcast %broadcast_in_dim3A_313 : vector<256x1xf32> to vector<256x50xf32>
    %div3A_314 = arith.divf %exp3A, %div3A : vector<256x50xf32>
    %get3A_315 = arith.constant 0 : index
    %get3A_316 = arith.constant 0 : index
    %get3A_317 = vector.load %arg3[%get3A_315, %get3A_316] : memref<256x50xf32, #tpu.memory_space<vmem>>, vector<256x50xf32>
    %mul3A = arith.mulf %div3A_314, %get3A_317 : vector<256x50xf32>
    %swap3A = arith.constant 0 : index
    %swap3A_318 = arith.constant 0 : index
    %swap3A_319 = vector.load %arg8[%swap3A, %swap3A_318] : memref<256x50xf32, #tpu.memory_space<vmem>>, vector<256x50xf32>
    tpu.vector_store %arg8[%swap3A, %swap3A_318], %mul3A {strides = array<i32>} : memref<256x50xf32, #tpu.memory_space<vmem>>, vector<256x50xf32>,
    %get3A_320 = arith.constant 0 : index
    %get3A_321 = arith.constant 0 : index
    %get3A_322 = vector.load %arg7[%get3A_320, %get3A_321] : memref<50x3200xf32, #tpu.memory_space<vmem>>, vector<50x3200xf32>
    %dot_general3A_323 = arith.constant dense<0.000000e+00> : vector<256x3200xf32>
    %dot_general3A_324 = tpu.matmul %mul3A, %get3A_322, %dot_general3A_323 {dimension_numbers = #tpu.dot_dimension_numbers<[1], [0], [0], [1], [0, 0, 1, 1], [], []>, transpose_lhs_hint = false} : vector<256x50xf32>, vector<50x3200xf32>, vector<256x3200xf32> -> vector<256x3200xf32>
    %broadcast_in_dim3A_325 = arith.constant 0.000000e+00 : f32
    %broadcast_in_dim3A_326 = vector.broadcast %broadcast_in_dim3A_325 : f32 to vector<256x128xf32>
    %get3A_327 = arith.constant 0 : index
    %get3A_328 = arith.constant 0 : index
    %get3A_329 = arith.constant 0 : index
    %get3A_330 = vector.load %arg1[%get3A_327, %get3A_328, %get3A_329] : memref<25x256x128xf32, #tpu.memory_space<vmem>>, vector<1x256x128xf32>
    %get3A_331 = vector.shape_cast %get3A_330 : vector<1x256x128xf32> to vector<256x128xf32>
    %slice3A = vector.extract_strided_slice %dot_general3A_324 {offsets = [0, 0], sizes = [256, 128], strides = [1, 1]} : vector<256x3200xf32> to vector<256x128xf32>
    %mul3A_332 = arith.mulf %get3A_331, %slice3A : vector<256x128xf32>
    %add3A_333 = arith.addf %broadcast_in_dim3A_326, %mul3A_332 : vector<256x128xf32>
    %get3A_334 = arith.constant 1 : index
    %get3A_335 = arith.constant 0 : index
    %get3A_336 = arith.constant 0 : index
    %get3A_337 = vector.load %arg1[%get3A_334, %get3A_335, %get3A_336] : memref<25x256x128xf32, #tpu.memory_space<vmem>>, vector<1x256x128xf32>
    %get3A_338 = vector.shape_cast %get3A_337 : vector<1x256x128xf32> to vector<256x128xf32>
    %slice3A_339 = vector.extract_strided_slice %dot_general3A_324 {offsets = [0, 128], sizes = [256, 128], strides = [1, 1]} : vector<256x3200xf32> to vector<256x128xf32>
    %mul3A_340 = arith.mulf %get3A_338, %slice3A_339 : vector<256x128xf32>
    %add3A_341 = arith.addf %add3A_333, %mul3A_340 : vector<256x128xf32>
    %get3A_342 = arith.constant 2 : index
    %get3A_343 = arith.constant 0 : index
    %get3A_344 = arith.constant 0 : index
    %get3A_345 = vector.load %arg1[%get3A_342, %get3A_343, %get3A_344] : memref<25x256x128xf32, #tpu.memory_space<vmem>>, vector<1x256x128xf32>
    %get3A_346 = vector.shape_cast %get3A_345 : vector<1x256x128xf32> to vector<256x128xf32>
    %slice3A_347 = vector.extract_strided_slice %dot_general3A_324 {offsets = [0, 256], sizes = [256, 128], strides = [1, 1]} : vector<256x3200xf32> to vector<256x128xf32>
    %mul3A_348 = arith.mulf %get3A_346, %slice3A_347 : vector<256x128xf32>
    %add3A_349 = arith.addf %add3A_341, %mul3A_348 : vector<256x128xf32>
    %get3A_350 = arith.constant 3 : index
    %get3A_351 = arith.constant 0 : index
    %get3A_352 = arith.constant 0 : index
    %get3A_353 = vector.load %arg1[%get3A_350, %get3A_351, %get3A_352] : memref<25x256x128xf32, #tpu.memory_space<vmem>>, vector<1x256x128xf32>
    %get3A_354 = vector.shape_cast %get3A_353 : vector<1x256x128xf32> to vector<256x128xf32>
    %slice3A_355 = vector.extract_strided_slice %dot_general3A_324 {offsets = [0, 384], sizes = [256, 128], strides = [1, 1]} : vector<256x3200xf32> to vector<256x128xf32>
    %mul3A_356 = arith.mulf %get3A_354, %slice3A_355 : vector<256x128xf32>
    %add3A_357 = arith.addf %add3A_349, %mul3A_356 : vector<256x128xf32>
    %get3A_358 = arith.constant 4 : index
    %get3A_359 = arith.constant 0 : index
    %get3A_360 = arith.constant 0 : index
    %get3A_361 = vector.load %arg1[%get3A_358, %get3A_359, %get3A_360] : memref<25x256x128xf32, #tpu.memory_space<vmem>>, vector<1x256x128xf32>
    %get3A_362 = vector.shape_cast %get3A_361 : vector<1x256x128xf32> to vector<256x128xf32>
    %slice3A_363 = vector.extract_strided_slice %dot_general3A_324 {offsets = [0, 512], sizes = [256, 128], strides = [1, 1]} : vector<256x3200xf32> to vector<256x128xf32>
    %mul3A_364 = arith.mulf %get3A_362, %slice3A_363 : vector<256x128xf32>
    %add3A_365 = arith.addf %add3A_357, %mul3A_364 : vector<256x128xf32>
    %get3A_366 = arith.constant 5 : index
    %get3A_367 = arith.constant 0 : index
    %get3A_368 = arith.constant 0 : index
    %get3A_369 = vector.load %arg1[%get3A_366, %get3A_367, %get3A_368] : memref<25x256x128xf32, #tpu.memory_space<vmem>>, vector<1x256x128xf32>
    %get3A_370 = vector.shape_cast %get3A_369 : vector<1x256x128xf32> to vector<256x128xf32>
    %slice3A_371 = vector.extract_strided_slice %dot_general3A_324 {offsets = [0, 640], sizes = [256, 128], strides = [1, 1]} : vector<256x3200xf32> to vector<256x128xf32>
    %mul3A_372 = arith.mulf %get3A_370, %slice3A_371 : vector<256x128xf32>
    %add3A_373 = arith.addf %add3A_365, %mul3A_372 : vector<256x128xf32>
    %get3A_374 = arith.constant 6 : index
    %get3A_375 = arith.constant 0 : index
    %get3A_376 = arith.constant 0 : index
    %get3A_377 = vector.load %arg1[%get3A_374, %get3A_375, %get3A_376] : memref<25x256x128xf32, #tpu.memory_space<vmem>>, vector<1x256x128xf32>
    %get3A_378 = vector.shape_cast %get3A_377 : vector<1x256x128xf32> to vector<256x128xf32>
    %slice3A_379 = vector.extract_strided_slice %dot_general3A_324 {offsets = [0, 768], sizes = [256, 128], strides = [1, 1]} : vector<256x3200xf32> to vector<256x128xf32>
    %mul3A_380 = arith.mulf %get3A_378, %slice3A_379 : vector<256x128xf32>
    %add3A_381 = arith.addf %add3A_373, %mul3A_380 : vector<256x128xf32>
    %get3A_382 = arith.constant 7 : index
    %get3A_383 = arith.constant 0 : index
    %get3A_384 = arith.constant 0 : index
    %get3A_385 = vector.load %arg1[%get3A_382, %get3A_383, %get3A_384] : memref<25x256x128xf32, #tpu.memory_space<vmem>>, vector<1x256x128xf32>
    %get3A_386 = vector.shape_cast %get3A_385 : vector<1x256x128xf32> to vector<256x128xf32>
    %slice3A_387 = vector.extract_strided_slice %dot_general3A_324 {offsets = [0, 896], sizes = [256, 128], strides = [1, 1]} : vector<256x3200xf32> to vector<256x128xf32>
    %mul3A_388 = arith.mulf %get3A_386, %slice3A_387 : vector<256x128xf32>
    %add3A_389 = arith.addf %add3A_381, %mul3A_388 : vector<256x128xf32>
    %get3A_390 = arith.constant 8 : index
    %get3A_391 = arith.constant 0 : index
    %get3A_392 = arith.constant 0 : index
    %get3A_393 = vector.load %arg1[%get3A_390, %get3A_391, %get3A_392] : memref<25x256x128xf32, #tpu.memory_space<vmem>>, vector<1x256x128xf32>
    %get3A_394 = vector.shape_cast %get3A_393 : vector<1x256x128xf32> to vector<256x128xf32>
    %slice3A_395 = vector.extract_strided_slice %dot_general3A_324 {offsets = [0, 1024], sizes = [256, 128], strides = [1, 1]} : vector<256x3200xf32> to vector<256x128xf32>
    %mul3A_396 = arith.mulf %get3A_394, %slice3A_395 : vector<256x128xf32>
    %add3A_397 = arith.addf %add3A_389, %mul3A_396 : vector<256x128xf32>
    %get3A_398 = arith.constant 9 : index
    %get3A_399 = arith.constant 0 : index
    %get3A_400 = arith.constant 0 : index
    %get3A_401 = vector.load %arg1[%get3A_398, %get3A_399, %get3A_400] : memref<25x256x128xf32, #tpu.memory_space<vmem>>, vector<1x256x128xf32>
    %get3A_402 = vector.shape_cast %get3A_401 : vector<1x256x128xf32> to vector<256x128xf32>
    %slice3A_403 = vector.extract_strided_slice %dot_general3A_324 {offsets = [0, 1152], sizes = [256, 128], strides = [1, 1]} : vector<256x3200xf32> to vector<256x128xf32>
    %mul3A_404 = arith.mulf %get3A_402, %slice3A_403 : vector<256x128xf32>
    %add3A_405 = arith.addf %add3A_397, %mul3A_404 : vector<256x128xf32>
    %get3A_406 = arith.constant 10 : index
    %get3A_407 = arith.constant 0 : index
    %get3A_408 = arith.constant 0 : index
    %get3A_409 = vector.load %arg1[%get3A_406, %get3A_407, %get3A_408] : memref<25x256x128xf32, #tpu.memory_space<vmem>>, vector<1x256x128xf32>
    %get3A_410 = vector.shape_cast %get3A_409 : vector<1x256x128xf32> to vector<256x128xf32>
    %slice3A_411 = vector.extract_strided_slice %dot_general3A_324 {offsets = [0, 1280], sizes = [256, 128], strides = [1, 1]} : vector<256x3200xf32> to vector<256x128xf32>
    %mul3A_412 = arith.mulf %get3A_410, %slice3A_411 : vector<256x128xf32>
    %add3A_413 = arith.addf %add3A_405, %mul3A_412 : vector<256x128xf32>
    %get3A_414 = arith.constant 11 : index
    %get3A_415 = arith.constant 0 : index
    %get3A_416 = arith.constant 0 : index
    %get3A_417 = vector.load %arg1[%get3A_414, %get3A_415, %get3A_416] : memref<25x256x128xf32, #tpu.memory_space<vmem>>, vector<1x256x128xf32>
    %get3A_418 = vector.shape_cast %get3A_417 : vector<1x256x128xf32> to vector<256x128xf32>
    %slice3A_419 = vector.extract_strided_slice %dot_general3A_324 {offsets = [0, 1408], sizes = [256, 128], strides = [1, 1]} : vector<256x3200xf32> to vector<256x128xf32>
    %mul3A_420 = arith.mulf %get3A_418, %slice3A_419 : vector<256x128xf32>
    %add3A_421 = arith.addf %add3A_413, %mul3A_420 : vector<256x128xf32>
    %get3A_422 = arith.constant 12 : index
    %get3A_423 = arith.constant 0 : index
    %get3A_424 = arith.constant 0 : index
    %get3A_425 = vector.load %arg1[%get3A_422, %get3A_423, %get3A_424] : memref<25x256x128xf32, #tpu.memory_space<vmem>>, vector<1x256x128xf32>
    %get3A_426 = vector.shape_cast %get3A_425 : vector<1x256x128xf32> to vector<256x128xf32>
    %slice3A_427 = vector.extract_strided_slice %dot_general3A_324 {offsets = [0, 1536], sizes = [256, 128], strides = [1, 1]} : vector<256x3200xf32> to vector<256x128xf32>
    %mul3A_428 = arith.mulf %get3A_426, %slice3A_427 : vector<256x128xf32>
    %add3A_429 = arith.addf %add3A_421, %mul3A_428 : vector<256x128xf32>
    %get3A_430 = arith.constant 13 : index
    %get3A_431 = arith.constant 0 : index
    %get3A_432 = arith.constant 0 : index
    %get3A_433 = vector.load %arg1[%get3A_430, %get3A_431, %get3A_432] : memref<25x256x128xf32, #tpu.memory_space<vmem>>, vector<1x256x128xf32>
    %get3A_434 = vector.shape_cast %get3A_433 : vector<1x256x128xf32> to vector<256x128xf32>
    %slice3A_435 = vector.extract_strided_slice %dot_general3A_324 {offsets = [0, 1664], sizes = [256, 128], strides = [1, 1]} : vector<256x3200xf32> to vector<256x128xf32>
    %mul3A_436 = arith.mulf %get3A_434, %slice3A_435 : vector<256x128xf32>
    %add3A_437 = arith.addf %add3A_429, %mul3A_436 : vector<256x128xf32>
    %get3A_438 = arith.constant 14 : index
    %get3A_439 = arith.constant 0 : index
    %get3A_440 = arith.constant 0 : index
    %get3A_441 = vector.load %arg1[%get3A_438, %get3A_439, %get3A_440] : memref<25x256x128xf32, #tpu.memory_space<vmem>>, vector<1x256x128xf32>
    %get3A_442 = vector.shape_cast %get3A_441 : vector<1x256x128xf32> to vector<256x128xf32>
    %slice3A_443 = vector.extract_strided_slice %dot_general3A_324 {offsets = [0, 1792], sizes = [256, 128], strides = [1, 1]} : vector<256x3200xf32> to vector<256x128xf32>
    %mul3A_444 = arith.mulf %get3A_442, %slice3A_443 : vector<256x128xf32>
    %add3A_445 = arith.addf %add3A_437, %mul3A_444 : vector<256x128xf32>
    %get3A_446 = arith.constant 15 : index
    %get3A_447 = arith.constant 0 : index
    %get3A_448 = arith.constant 0 : index
    %get3A_449 = vector.load %arg1[%get3A_446, %get3A_447, %get3A_448] : memref<25x256x128xf32, #tpu.memory_space<vmem>>, vector<1x256x128xf32>
    %get3A_450 = vector.shape_cast %get3A_449 : vector<1x256x128xf32> to vector<256x128xf32>
    %slice3A_451 = vector.extract_strided_slice %dot_general3A_324 {offsets = [0, 1920], sizes = [256, 128], strides = [1, 1]} : vector<256x3200xf32> to vector<256x128xf32>
    %mul3A_452 = arith.mulf %get3A_450, %slice3A_451 : vector<256x128xf32>
    %add3A_453 = arith.addf %add3A_445, %mul3A_452 : vector<256x128xf32>
    %get3A_454 = arith.constant 16 : index
    %get3A_455 = arith.constant 0 : index
    %get3A_456 = arith.constant 0 : index
    %get3A_457 = vector.load %arg1[%get3A_454, %get3A_455, %get3A_456] : memref<25x256x128xf32, #tpu.memory_space<vmem>>, vector<1x256x128xf32>
    %get3A_458 = vector.shape_cast %get3A_457 : vector<1x256x128xf32> to vector<256x128xf32>
    %slice3A_459 = vector.extract_strided_slice %dot_general3A_324 {offsets = [0, 2048], sizes = [256, 128], strides = [1, 1]} : vector<256x3200xf32> to vector<256x128xf32>
    %mul3A_460 = arith.mulf %get3A_458, %slice3A_459 : vector<256x128xf32>
    %add3A_461 = arith.addf %add3A_453, %mul3A_460 : vector<256x128xf32>
    %get3A_462 = arith.constant 17 : index
    %get3A_463 = arith.constant 0 : index
    %get3A_464 = arith.constant 0 : index
    %get3A_465 = vector.load %arg1[%get3A_462, %get3A_463, %get3A_464] : memref<25x256x128xf32, #tpu.memory_space<vmem>>, vector<1x256x128xf32>
    %get3A_466 = vector.shape_cast %get3A_465 : vector<1x256x128xf32> to vector<256x128xf32>
    %slice3A_467 = vector.extract_strided_slice %dot_general3A_324 {offsets = [0, 2176], sizes = [256, 128], strides = [1, 1]} : vector<256x3200xf32> to vector<256x128xf32>
    %mul3A_468 = arith.mulf %get3A_466, %slice3A_467 : vector<256x128xf32>
    %add3A_469 = arith.addf %add3A_461, %mul3A_468 : vector<256x128xf32>
    %get3A_470 = arith.constant 18 : index
    %get3A_471 = arith.constant 0 : index
    %get3A_472 = arith.constant 0 : index
    %get3A_473 = vector.load %arg1[%get3A_470, %get3A_471, %get3A_472] : memref<25x256x128xf32, #tpu.memory_space<vmem>>, vector<1x256x128xf32>
    %get3A_474 = vector.shape_cast %get3A_473 : vector<1x256x128xf32> to vector<256x128xf32>
    %slice3A_475 = vector.extract_strided_slice %dot_general3A_324 {offsets = [0, 2304], sizes = [256, 128], strides = [1, 1]} : vector<256x3200xf32> to vector<256x128xf32>
    %mul3A_476 = arith.mulf %get3A_474, %slice3A_475 : vector<256x128xf32>
    %add3A_477 = arith.addf %add3A_469, %mul3A_476 : vector<256x128xf32>
    %get3A_478 = arith.constant 19 : index
    %get3A_479 = arith.constant 0 : index
    %get3A_480 = arith.constant 0 : index
    %get3A_481 = vector.load %arg1[%get3A_478, %get3A_479, %get3A_480] : memref<25x256x128xf32, #tpu.memory_space<vmem>>, vector<1x256x128xf32>
    %get3A_482 = vector.shape_cast %get3A_481 : vector<1x256x128xf32> to vector<256x128xf32>
    %slice3A_483 = vector.extract_strided_slice %dot_general3A_324 {offsets = [0, 2432], sizes = [256, 128], strides = [1, 1]} : vector<256x3200xf32> to vector<256x128xf32>
    %mul3A_484 = arith.mulf %get3A_482, %slice3A_483 : vector<256x128xf32>
    %add3A_485 = arith.addf %add3A_477, %mul3A_484 : vector<256x128xf32>
    %get3A_486 = arith.constant 20 : index
    %get3A_487 = arith.constant 0 : index
    %get3A_488 = arith.constant 0 : index
    %get3A_489 = vector.load %arg1[%get3A_486, %get3A_487, %get3A_488] : memref<25x256x128xf32, #tpu.memory_space<vmem>>, vector<1x256x128xf32>
    %get3A_490 = vector.shape_cast %get3A_489 : vector<1x256x128xf32> to vector<256x128xf32>
    %slice3A_491 = vector.extract_strided_slice %dot_general3A_324 {offsets = [0, 2560], sizes = [256, 128], strides = [1, 1]} : vector<256x3200xf32> to vector<256x128xf32>
    %mul3A_492 = arith.mulf %get3A_490, %slice3A_491 : vector<256x128xf32>
    %add3A_493 = arith.addf %add3A_485, %mul3A_492 : vector<256x128xf32>
    %get3A_494 = arith.constant 21 : index
    %get3A_495 = arith.constant 0 : index
    %get3A_496 = arith.constant 0 : index
    %get3A_497 = vector.load %arg1[%get3A_494, %get3A_495, %get3A_496] : memref<25x256x128xf32, #tpu.memory_space<vmem>>, vector<1x256x128xf32>
    %get3A_498 = vector.shape_cast %get3A_497 : vector<1x256x128xf32> to vector<256x128xf32>
    %slice3A_499 = vector.extract_strided_slice %dot_general3A_324 {offsets = [0, 2688], sizes = [256, 128], strides = [1, 1]} : vector<256x3200xf32> to vector<256x128xf32>
    %mul3A_500 = arith.mulf %get3A_498, %slice3A_499 : vector<256x128xf32>
    %add3A_501 = arith.addf %add3A_493, %mul3A_500 : vector<256x128xf32>
    %get3A_502 = arith.constant 22 : index
    %get3A_503 = arith.constant 0 : index
    %get3A_504 = arith.constant 0 : index
    %get3A_505 = vector.load %arg1[%get3A_502, %get3A_503, %get3A_504] : memref<25x256x128xf32, #tpu.memory_space<vmem>>, vector<1x256x128xf32>
    %get3A_506 = vector.shape_cast %get3A_505 : vector<1x256x128xf32> to vector<256x128xf32>
    %slice3A_507 = vector.extract_strided_slice %dot_general3A_324 {offsets = [0, 2816], sizes = [256, 128], strides = [1, 1]} : vector<256x3200xf32> to vector<256x128xf32>
    %mul3A_508 = arith.mulf %get3A_506, %slice3A_507 : vector<256x128xf32>
    %add3A_509 = arith.addf %add3A_501, %mul3A_508 : vector<256x128xf32>
    %get3A_510 = arith.constant 23 : index
    %get3A_511 = arith.constant 0 : index
    %get3A_512 = arith.constant 0 : index
    %get3A_513 = vector.load %arg1[%get3A_510, %get3A_511, %get3A_512] : memref<25x256x128xf32, #tpu.memory_space<vmem>>, vector<1x256x128xf32>
    %get3A_514 = vector.shape_cast %get3A_513 : vector<1x256x128xf32> to vector<256x128xf32>
    %slice3A_515 = vector.extract_strided_slice %dot_general3A_324 {offsets = [0, 2944], sizes = [256, 128], strides = [1, 1]} : vector<256x3200xf32> to vector<256x128xf32>
    %mul3A_516 = arith.mulf %get3A_514, %slice3A_515 : vector<256x128xf32>
    %add3A_517 = arith.addf %add3A_509, %mul3A_516 : vector<256x128xf32>
    %get3A_518 = arith.constant 24 : index
    %get3A_519 = arith.constant 0 : index
    %get3A_520 = arith.constant 0 : index
    %get3A_521 = vector.load %arg1[%get3A_518, %get3A_519, %get3A_520] : memref<25x256x128xf32, #tpu.memory_space<vmem>>, vector<1x256x128xf32>
    %get3A_522 = vector.shape_cast %get3A_521 : vector<1x256x128xf32> to vector<256x128xf32>
    %slice3A_523 = vector.extract_strided_slice %dot_general3A_324 {offsets = [0, 3072], sizes = [256, 128], strides = [1, 1]} : vector<256x3200xf32> to vector<256x128xf32>
    %mul3A_524 = arith.mulf %get3A_522, %slice3A_523 : vector<256x128xf32>
    %add3A_525 = arith.addf %add3A_517, %mul3A_524 : vector<256x128xf32>
    %slice3A_526 = vector.extract_strided_slice %add3A_525 {offsets = [0, 0], sizes = [256, 64], strides = [1, 1]} : vector<256x128xf32> to vector<256x64xf32>
    %slice3A_527 = vector.extract_strided_slice %add3A_525 {offsets = [0, 64], sizes = [256, 64], strides = [1, 1]} : vector<256x128xf32> to vector<256x64xf32>
    %add3A_528 = arith.addf %slice3A_526, %slice3A_527 : vector<256x64xf32>
    %swap3A_529 = arith.constant 0 : index
    %swap3A_530 = arith.constant 0 : index
    %swap3A_531 = vector.load %arg9[%swap3A_529, %swap3A_530] : memref<256x64xf32, #tpu.memory_space<vmem>>, vector<256x64xf32>
    tpu.vector_store %arg9[%swap3A_529, %swap3A_530], %add3A_528 {strides = array<i32>} : memref<256x64xf32, #tpu.memory_space<vmem>>, vector<256x64xf32>,
    return
  }
  func.func @transform_0(%arg0: i32) -> (i32, i32, i32) {
    %c0_i32 = arith.constant 0 : i32
    %c0_i32_0 = arith.constant 0 : i32
    %c0_i32_1 = arith.constant 0 : i32
    return %c0_i32, %arg0, %c0_i32_0 : i32, i32, i32
  }
  func.func @transform_1(%arg0: i32) -> (i32, i32) {
    %c0_i32 = arith.constant 0 : i32
    %c0_i32_0 = arith.constant 0 : i32
    return %arg0, %c0_i32 : i32, i32
  }
  func.func @transform_2(%arg0: i32) -> (i32, i32) {
    %c0_i32 = arith.constant 0 : i32
    %c0_i32_0 = arith.constant 0 : i32
    return %arg0, %c0_i32 : i32, i32
  }
  func.func @transform_3(%arg0: i32) -> (i32, i32) {
    %c0_i32 = arith.constant 0 : i32
    %c0_i32_0 = arith.constant 0 : i32
    %c0_i32_1 = arith.constant 0 : i32
    return %c0_i32, %c0_i32_0 : i32, i32
  }
  func.func @transform_4(%arg0: i32) -> (i32, i32) {
    %c0_i32 = arith.constant 0 : i32
    %c0_i32_0 = arith.constant 0 : i32
    %c0_i32_1 = arith.constant 0 : i32
    return %c0_i32, %c0_i32_0 : i32, i32
  }
  func.func @transform_5(%arg0: i32) -> (i32, i32) {
    %c0_i32 = arith.constant 0 : i32
    %c0_i32_0 = arith.constant 0 : i32
    %c0_i32_1 = arith.constant 0 : i32
    return %c0_i32, %c0_i32_0 : i32, i32
  }
  func.func @transform_6(%arg0: i32) -> (i32, i32) {
    %c0_i32 = arith.constant 0 : i32
    %c0_i32_0 = arith.constant 0 : i32
    %c0_i32_1 = arith.constant 0 : i32
    return %c0_i32, %c0_i32_0 : i32, i32
  }
  func.func @transform_7(%arg0: i32) -> (i32, i32) {
    %c0_i32 = arith.constant 0 : i32
    %c0_i32_0 = arith.constant 0 : i32
    return %arg0, %c0_i32 : i32, i32
  }
  func.func @transform_8(%arg0: i32) -> (i32, i32) {
    %c0_i32 = arith.constant 0 : i32
    %c0_i32_0 = arith.constant 0 : i32
    return %arg0, %c0_i32 : i32, i32
  }
}

</mosaic_0001>

<sc_bundles>
// kernel: kernel.4.cloned.1.call-start
scs
__scs_entry_jumppad:
0x0: {  	(pc) =	sbr.rel $0x88, $3  }
0x1: {  	(tag) =	ssettag $0x0;
	lr =	simm.s32 $0x1  }
0x2: {  	[smem:$0x3F99] =	sst lr;
	_ =	strace $0xD0000000  }
0x3: {  	_ = 	snop  }
0x4: {  	_ = 	snop  }
0x5: {  	_ = 	snop  }
0x6: {  	_ = 	snop  }
0x7: {  	_ = 	snop  }
__scs_overlays_trampoline_lowered:
0x8: {  	[smem:$0x3FA8] =	sst s0  }
0x9: {  	[smem:$0x3FA9] =	sst s1  }
0xa: {  	[smem:$0x3FAA] =	sst s2  }
0xb: {  	[smem:$0x3FAB] =	sst s3  }
0xc: {  	[smem:$0x3FAC] =	sst s4  }
0xd: {  	[smem:$0x3FAD] =	sst s5  }
0xe: {  	[smem:$0x3FAE] =	sst s6  }
0xf: {  	[smem:$0x3FAF] =	sst s7  }
0x10: {  	[smem:$0x3FB0] =	sst s8  }
0x11: {  	[smem:$0x3FB1] =	sst s9;
	s0 =	simm.s32 @!p0 $0x0  }
0x12: {  	s1 =	sld [smem:$0x3F97];
	s0 =	simm.s32 @p0 $0x1  }
0x13: {  	[smem:$0x3FB2] =	sst s0;
	s0 =	simm.s32 @!p1 $0x0  }
0x14: {  	s2 =	sld [smem:$0x3F96];
	s0 =	simm.s32 @p1 $0x1  }
0x15: {  	[smem:$0x3FB3] =	sst s0;
	s0 =	simm.s32 @!p2 $0x0  }
0x16: {  	s3 =	sld [smem:$0x3FDB];
	s0 =	simm.s32 @p2 $0x1  }
0x17: {  	s4 =	simm.s32 $0x1BF5;
	[smem:$0x3FB5] =	sst s0  }
0x18: {  	s0 =	sld [smem:$0x3F98];
	_ =	swait.ge [sflag:s4], $0x0  }
0x19: {  	s7 =	sld [smem:$0x3F99]  }
0x1a: {  	s8 =	sadd.s32 $0xFFFFE003, lr  }
0x1b: {  	s9 =	sadd.s32 $0xFFFFFEF7, lr;
	s5 =	simm.s32 $0xFFFFFFFF;
	p2 =	slt.u32 s8, $0xFFFFF086  }
0x1c: {  	p1 =	slt.u32 s9, $0xF7A;
	s5 =	simm.s32 @!p2 $0x0  }
0x1d: {  	s5 =	simm.s32 @p1 $0x1;
	p0 =	seq.s32 s7, s2  }
0x1e: {  	s7 =	smul.u32 @!p0 $0xF7A, s2;
	p2 =	seq.s32 @!p0 s5, $0x0  }
0x1f: {  	s9 =	smul.u32 $0xF7A, s1;
	s8 =	simm.s32 @!p0 $0x1BF5;
	p2 =	por !p2, p0  }
0x20: {  	[sflag:s8] =	ssyncset.s32 @!p0 $0xFFFFF086;
	s6 =	sadd.s32 @!p0 s3, s7;
	s7 =	simm.s32 @!p0 $0x108  }
0x21: {  	s3 =	sadd.s32 s3, s9;
	s6 =	sadd.s32 @!p0 $0x88, s6;
	s7 =	simm.s32 @p2 $0x1082  }
0x22: {  	[simem:s7], [sflag:s8] =	dma.local @!p0 [hbm:s6], $0xF7A  }
0x23: {  	s9 =	sor.u32 $0xD0000000, s2;
	s6 =	simm.s32 $0x108;
	_ =	swait.ge @!p0 [sflag:s8], $0x0  }
0x24: {  	s3 =	sadd.s32 $0x88, s3;
	s6 =	simm.s32 @!p1 $0x1082;
	[sflag:s4] =	ssyncset.s32 $0xFFFFF086  }
0x25: {  	[simem:s6], [sflag:s4] =	dma.local [hbm:s3], $0xF7A  }
0x26: {  	[smem:$0x3F99] =	sst s1;
	(tag) =	ssettag s2;
	_ =	strace s9  }
0x27: {  	s1 =	sld [smem:$0x3FA9]  }
0x28: {  	s2 =	sld [smem:$0x3FAA]  }
0x29: {  	s4 =	sld [smem:$0x3FAC]  }
0x2a: {  	p0 =	seq.s32 s5, $0x0;
	s5 =	sld [smem:$0x3FAD]  }
0x2b: {  	s6 =	sld [smem:$0x3FAE]  }
0x2c: {  	s7 =	sld [smem:$0x3FAF]  }
0x2d: {  	s3 =	simm.s32 $0x108;
	s8 =	sld [smem:$0x3FB0]  }
0x2e: {  	s3 =	simm.s32 @!p0 $0x1082;
	s9 =	sld [smem:$0x3FB1]  }
0x2f: {  	lr =	sadd.s32 s0, s3;
	s0 =	sld [smem:$0x3FA8]  }
0x30: {  	s3 =	sld [smem:$0x3FAB]  }
0x31: {  	[smem:$0x3FB4] =	sst s10  }
0x32: {  	s10 =	sld [smem:$0x3FB2];
	_ =	sdelay $0x3  }
0x33: {  	p0 =	seq.s32 s10, $0x1;
	s10 =	sld [smem:$0x3FB4];
	_ =	sdelay $0x3  }
0x34: {  	[smem:$0x3FB4] =	sst s10  }
0x35: {  	s10 =	sld [smem:$0x3FB3];
	_ =	sdelay $0x3  }
0x36: {  	p1 =	seq.s32 s10, $0x1;
	s10 =	sld [smem:$0x3FB4];
	_ =	sdelay $0x3  }
0x37: {  	[smem:$0x3FB4] =	sst s10  }
0x38: {  	s10 =	sld [smem:$0x3FB5]  }
0x39: {  	_ = 	snop;
	(pc) =	sbr.ind lr, $3  }
0x3a: {  	_ = 	snop  }
0x3b: {  	_ = 	snop  }
0x3c: {  	p2 =	seq.s32 s10, $0x1;
	s10 =	sld [smem:$0x3FB4]  }
0x3d: {  	_ =	shalt  }
0x3e: {  	_ =	shalt  }
0x3f: {  	_ =	shalt  }
0x40: {  	_ =	shalt  }
0x41: {  	_ =	shalt  }
0x42: {  	_ =	shalt  }
0x43: {  	_ =	shalt  }
0x44: {  	_ =	shalt  }
0x45: {  	_ =	shalt  }
0x46: {  	_ =	shalt  }
0x47: {  	_ =	shalt  }
0x48: {  	_ =	shalt  }
0x49: {  	_ =	shalt  }
0x4a: {  	_ =	shalt  }
0x4b: {  	_ =	shalt  }
0x4c: {  	_ =	shalt  }
0x4d: {  	_ =	shalt  }
0x4e: {  	_ =	shalt  }
0x4f: {  	_ =	shalt  }
0x50: {  	_ =	shalt  }
0x51: {  	_ =	shalt  }
0x52: {  	_ =	shalt  }
0x53: {  	_ =	shalt  }
0x54: {  	_ =	shalt  }
0x55: {  	_ =	shalt  }
0x56: {  	_ =	shalt  }
0x57: {  	_ =	shalt  }
0x58: {  	_ =	shalt  }
0x59: {  	_ =	shalt  }
0x5a: {  	_ =	shalt  }
0x5b: {  	_ =	shalt  }
0x5c: {  	_ =	shalt  }
0x5d: {  	_ =	shalt  }
0x5e: {  	_ =	shalt  }
0x5f: {  	_ =	shalt  }
0x60: {  	_ =	shalt  }
0x61: {  	_ =	shalt  }
0x62: {  	_ =	shalt  }
0x63: {  	_ =	shalt  }
0x64: {  	_ =	shalt  }
0x65: {  	_ =	shalt  }
0x66: {  	_ =	shalt  }
0x67: {  	_ =	shalt  }
0x68: {  	_ =	shalt  }
0x69: {  	_ =	shalt  }
0x6a: {  	_ =	shalt  }
0x6b: {  	_ =	shalt  }
0x6c: {  	_ =	shalt  }
0x6d: {  	_ =	shalt  }
0x6e: {  	_ =	shalt  }
0x6f: {  	_ =	shalt  }
0x70: {  	_ =	shalt  }
0x71: {  	_ =	shalt  }
0x72: {  	_ =	shalt  }
0x73: {  	_ =	shalt  }
0x74: {  	_ =	shalt  }
0x75: {  	_ =	shalt  }
0x76: {  	_ =	shalt  }
0x77: {  	_ =	shalt  }
0x78: {  	_ =	shalt  }
0x79: {  	_ =	shalt  }
0x7a: {  	_ =	shalt  }
0x7b: {  	_ =	shalt  }
0x7c: {  	_ =	shalt  }
0x7d: {  	_ =	shalt  }
0x7e: {  	_ =	shalt  }
0x7f: {  	_ =	shalt  }
0x80: {  	_ =	shalt  }
0x81: {  	_ =	shalt  }
0x82: {  	_ =	shalt  }
0x83: {  	_ =	shalt  }
0x84: {  	_ =	shalt  }
0x85: {  	_ =	shalt  }
0x86: {  	_ =	shalt  }
0x87: {  	_ =	shalt  }
.Lfunc_end0:
.L_simem_size_0:
called_computation_lowered:
.L_overlay_start_0:
0x88: {  	s2 =	sld [smem:$0x3FD9]  }
0x89: {  	s3 =	sld [smem:$0x3FFE];
	_ =	sdelay $0x1  }
0x8a: {  	s1 =	srdreg.scid  }
0x8b: {  	s0 =	sand.u32 $0x1, s1  }
0x8c: {  	s14 =	sshll.u32 s0, $0xA;
	s2 =	sadd.s32 s3, s2  }
0x8d: {  	s2 =	sadd.s32 s2, s14  }
0x8e: {  	[smem:$0x3FC0] =	sst s2  }
0x8f: {  	_ = 	snop  }
0x90: {  	s2 =	sld [smem:$0x3FD0];
	_ =	sdelay $0x2  }
0x91: {  	s15 =	simm.s32 $0xA;
	s4 =	simm.s32 $0x10  }
0x92: {  	[smem:s4], [sflag:s15] =	dma.local [hbm:s2], $0x1  }
0x93: {  	_ =	swait.eq [sflag:s15], $0x1  }
0x94: {  	[sflag:s15] =	ssyncset.done $0x0  }
0x95: {  	[sflag:s15] =	ssyncadd.s32 $0xFFFFFFFF  }
0x96: {  	s16 =	sld [smem:$0x12];
	(tm) =	ssettm $0x1  }
0x97: {  	s17 =	sld [smem:$0x3FFB];
	_ =	sdelay $0x3  }
0x98: {  	_ =	strace s17  }
0x99: {  	s3 =	sld [smem:$0x3FFC];
	_ =	sdelay $0x3  }
0x9a: {  	_ =	strace s3  }
0x9b: {  	s3 =	sld [smem:$0x3FFD];
	_ =	sdelay $0x3  }
0x9c: {  	_ =	strace s3  }
0x9d: {  	_ =	strace $0x8FFFFFFF  }
0x9e: {  	s18 =	sld [smem:$0x3FDB];
	_ =	sdelay $0x1  }
0x9f: {  	s19 =	simm.s32 $_scs_section_size  }
0xa0: {  	s5 =	simm.s32 $_size__tile_overlayer_lowered;
	s6 =	simm.s32 $_tile_overlayer_lowered  }
0xa1: {  	s22 =	simm.s32 $0x1BFF;
	s21 =	sshll.u32 s6, $0x1;
	s3 =	sadd.s32 s19, s18  }
0xa2: {  	s7 =	simm.s32 $0x0;
	s20 =	sshll.u32 s5, $0x1;
	s5 =	sadd.s32 s21, s3  }
0xa3: {  	[timem:s7], [sflag:s22] =	dma.local [hbm:s5], s20  }
0xa4: {  	_ =	swait.ge [sflag:s22], s20  }
0xa5: {  	s4 =	ssub.s32 $0x0, s20;
	[sflag:s22] =	ssyncset.done $0x0  }
0xa6: {  	[sflag:s22] =	ssyncadd.s32 s4;
	_ =	sdelay $0x1  }
0xa7: {  	s23 =	simm.s32 $0x1B8B  }
0xa8: {  	_ =	swait.ge [sflag:s23], $0x1  }
0xa9: {  	[sflag:s23] =	ssyncset.done $0x0  }
0xaa: {  	s25 =	simm.s32 $0x1B8E;
	s24 =	sld [smem:$0x3FFE];
	[sflag:s23] =	ssyncadd.s32 $0xFFFFFFFF  }
0xab: {  	s26 =	simm.s32 $execute0_lowered;
	[smem:$0x3FD2] =	sst s25  }
0xac: {  	s5 =	sshll.u32 s26, $0x1;
	_ =	strace $0x80000046;
	[dreg:$0x1] =	wrdreg $0xFFFFFFFF  }
0xad: {  	s28 =	simm.s32 $_size_execute0_lowered;
	s3 =	sadd.s32 s3, s5;
	[dreg:$0x0] =	wrdreg $0x0  }
0xae: {  	s5 =	sshll.u32 s28, $0x1;
	[dreg:$0x2] =	wrdreg s3  }
0xaf: {  	[dreg:$0x3] =	wrdreg s5  }
0xb0: {  	[dreg:$0x4] =	wrdreg $0xC0  }
0xb1: {  	_ =	task [dreg:s7], $0x5FFFF  }
0xb2: {  	[dreg:$0x1] =	wrdreg $0xFFFFFFFF  }
0xb3: {  	[dreg:$0x0] =	wrdreg $0x60  }
0xb4: {  	[dreg:$0x2] =	wrdreg s24  }
0xb5: {  	[dreg:$0x3] =	wrdreg s16  }
0xb6: {  	[dreg:$0x4] =	wrdreg $0x9  }
0xb7: {  	_ =	task.clear_ibuf [dreg:s7], $0x5FFFF;
	_ =	strace $0x90000046  }
0xb8: {  	s29 =	simm.s32 $0x9;
	_ =	strace $0x80000048  }
0xb9: {  	_ =	swait.ge [sflag:s29], $0x1  }
0xba: {  	[sflag:s29] =	ssyncadd.s32 $0xFFFFFFFF  }
0xbb: {  	_ =	strace $0x90000048  }
0xbc: {  	_ =	sfence  }
0xbd: {  	s30 =	sld [smem:$0x0];
	_ =	sdelay $0x2  }
0xbe: {  	s31 =	sshll.u32 s1, $0xD;
	s1 =	sshrl.u32 s1, $0x2  }
0xbf: {  	s3 =	sand.u32 $0x4000, s31;
	s1 =	sadd.s32 s1, s30  }
0xc0: {  	s0 =	sor.u32 s3, s0;
	s1 =	sshll.u32 s1, $0x11  }
0xc1: {  	s0 =	sor.u32 s1, s0  }
0xc2: {  	s0 =	sadd.s32 $0x8F2B, s0  }
0xc3: {  	[sflag:s0] =	ssyncadd.remote.s32 $0x1  }
0xc4: {  	_ =	sfence.sel $0xFFFF  }
0xc5: {  	[dreg:$0x0] =	wrdreg $0xFFFFFFFF;
	(pc) =	sbr.abs _section_cstart, $3  }
0xc6: {  	[dreg:$0x1] =	wrdreg $0xFFFFFFFF  }
0xc7: {  	_ =	task.clear_ibuf [dreg:s7], $0x2FFFF;
	_ =	strace $0x9FFFFFFF  }
0xc8: {  	(tm) =	ssettm $0x7FFFFFFF  }
0xc9: {  	_ =	shalt  }
tec
execute0_lowered:
.L_overlay_start_1:
0x0: {  	(tag) =	ssettag $0x1  }
0x1: {  	s5 =	rddreg [dreg:$0x0]  }
0x2: {  	s1 =	rddreg [dreg:$0x1]  }
0x3: {  	s0 =	rddreg [dreg:$0x2]  }
0x4: {  	s3 =	simm.s32 $0x0;
	s4 =	srdreg.scid;
	s2 =	stileid.u32  }
0x5: {  	s14 =	simm.s32 $0x200;
	s15 =	simm.s32 $0x2200;
	s16 =	simm.s32 $0x100  }
0x6: {  	s17 =	simm.s32 $0x4200;
	s18 =	simm.s32 $0x180;
	s19 =	simm.s32 $0x6200  }
0x7: {  	s20 =	simm.s32 $0x1;
	s21 =	simm.s32 $0x2;
	s22 =	simm.s32 $0x0  }
0x8: {  	[smem:$0x7FF] =	sst s3;
	s6 =	sand.u32 $0x1, s4;
	s4 =	sadd.s32 $0xF43E00, s5  }
0x9: {  	s8 =	sshll.u32 s2, $0x1;
	s10 =	sadd.s32 $0x1A00, s5;
	s9 =	sshll.u32 s2, $0x9  }
0xa: {  	s12 =	sshll.u32 s2, $0xF;
	_ =	strace $0x80000047;
	s7 =	ssub.s32 $0x2, s6  }
0xb: {  	s8 =	sor.u32 s6, s8;
	s11 =	sshll.u32 s6, $0x8;
	s13 =	sshll.u32 s6, $0xE  }
0xc: {  	s26 =	sshrl.u32 s7, $0x1;
	s28 =	sshll.u32 s8, $0x5;
	s8 =	sshll.u32 s8, $0xB  }
0xd: {  	s9 =	sor.u32 s11, s9;
	s29 =	sor.u32 s13, s12;
	s13 =	simm.s32 $0x80  }
0xe: {  	s7 =	ssub.s32 s7, s26;
	s5 =	sadd.s32 s1, s28;
	s8 =	sadd.s32 s8, s10  }
0xf: {  	s12 =	sor.u32 $0x80000, s29;
	s11 =	sshrl.u32 s29, $0x3;
	s30 =	sor.u32 $0x2000, s9  }
0x10: {  	s6 =	sadd.s32 $0x180000, s8;
	s7 =	smax.u32 s7, $0x1;
	s8 =	sor.u32 $0x4000, s9  }
0x11: {  	s12 =	sshrl.u32 s12, $0x3;
	s9 =	sadd.s32 s11, s10;
	s31 =	sshrl.u32 s30, $0x3  }
0x12: {  	s10 =	sadd.s32 s12, s10;
	s11 =	sadd.s32 s31, s1;
	s12 =	simm.s32 $0x3  }
.LBB2_1:
0x13: {  	[tilespmem:s3], [sflag:$0x3] =	stream.linear.gather [hbm4b:s5+s3], $0x100, $0x38;
	[tilespmem:$0x8200] =	vst v63  }
0x14: {  	_ =	swait.ge [sflag:s12], $0x100  }
0x15: {  	[sflag:s12] =	ssyncset.done $0x0  }
0x16: {  	[sflag:s12] =	ssyncadd.s32 $0xFFFFFF00  }
0x17: {  	[tilespmem:s14], [sflag:$0x1] =	stream.indirect.gather [hbm4b:s4+s13], $0x40, s3, s13, $0xb8;
	[tilespmem:$0x8200] =	vst v63  }
0x18: {  	_ = 	snop  }
0x19: {  	[tilespmem:s15], [sflag:$0x1] =	stream.indirect.gather [hbm4b:s4+s13], $0x40, s13, s13, $0xb8;
	[tilespmem:$0x8200] =	vst v63  }
0x1a: {  	_ = 	snop  }
0x1b: {  	[tilespmem:s16], [sflag:$0x3] =	stream.linear.gather [hbm4b:s11+s3], $0x100, $0x38;
	[tilespmem:$0x8200] =	vst v63  }
0x1c: {  	_ =	swait.ge [sflag:s12], $0x100  }
0x1d: {  	[sflag:s12] =	ssyncset.done $0x0  }
0x1e: {  	[sflag:s12] =	ssyncadd.s32 $0xFFFFFF00  }
0x1f: {  	[tilespmem:s17], [sflag:$0x2] =	stream.indirect.gather [hbm4b:s4+s13], $0x40, s16, s13, $0xb8;
	[tilespmem:$0x8200] =	vst v63  }
0x20: {  	_ = 	snop  }
0x21: {  	[tilespmem:s19], [sflag:$0x2] =	stream.indirect.gather [hbm4b:s4+s13], $0x40, s18, s13, $0xb8;
	[tilespmem:$0x8200] =	vst v63  }
0x22: {  	_ =	swait.ge [sflag:s20], $0x2000  }
0x23: {  	[sflag:s20] =	ssyncset.done $0x0  }
0x24: {  	[sflag:s20] =	ssyncadd.s32 $0xFFFFE000  }
0x25: {  	_ =	swait.ge [sflag:s20], $0x2000  }
0x26: {  	[sflag:s20] =	ssyncset.done $0x0  }
0x27: {  	s23 =	sadd.s32 $0x0, s9;
	[sflag:s20] =	ssyncadd.s32 $0xFFFFE000  }
0x28: {  	[hbm4b:s23+s3] =	stream.linear.scatter [tilespmem:s14], [sflag:$0x3], $0x4000, $0x38;
	[tilespmem:$0x8200] =	vst v63  }
0x29: {  	_ =	swait.ge [sflag:s12], $0x4000  }
0x2a: {  	s30 =	sshrl.u32 s8, $0x3;
	[sflag:s12] =	ssyncset.done $0x0  }
0x2b: {  	s23 =	sadd.s32 s1, s30;
	[sflag:s12] =	ssyncadd.s32 $0xFFFFC000  }
0x2c: {  	[tilespmem:s3], [sflag:$0x3] =	stream.linear.gather [hbm4b:s23+s3], $0x100, $0x38;
	[tilespmem:$0x8200] =	vst v63  }
0x2d: {  	_ =	swait.ge [sflag:s12], $0x100  }
0x2e: {  	[sflag:s12] =	ssyncset.done $0x0  }
0x2f: {  	[sflag:s12] =	ssyncadd.s32 $0xFFFFFF00  }
0x30: {  	[tilespmem:s14], [sflag:$0x1] =	stream.indirect.gather [hbm4b:s4+s13], $0x40, s3, s13, $0xb8;
	[tilespmem:$0x8200] =	vst v63  }
0x31: {  	_ = 	snop  }
0x32: {  	[tilespmem:s15], [sflag:$0x1] =	stream.indirect.gather [hbm4b:s4+s13], $0x40, s13, s13, $0xb8;
	[tilespmem:$0x8200] =	vst v63  }
0x33: {  	_ =	swait.ge [sflag:s21], $0x2000  }
0x34: {  	[sflag:s21] =	ssyncset.done $0x0  }
0x35: {  	[sflag:s21] =	ssyncadd.s32 $0xFFFFE000  }
0x36: {  	_ =	swait.ge [sflag:s21], $0x2000  }
0x37: {  	[sflag:s21] =	ssyncset.done $0x0  }
0x38: {  	s31 =	sadd.s32 $0x0, s10;
	[sflag:s21] =	ssyncadd.s32 $0xFFFFE000  }
0x39: {  	[hbm4b:s31+s3] =	stream.linear.scatter [tilespmem:s17], [sflag:$0x3], $0x4000, $0x38;
	[tilespmem:$0x8200] =	vst v63  }
0x3a: {  	s24 =	smov.u32 s8;
	_ =	swait.ge [sflag:s12], $0x4000  }
0x3b: {  	s25 =	smov.u32 s11;
	s23 =	simm.s32 $0x20000;
	[sflag:s12] =	ssyncset.done $0x0  }
.LBB2_2:
0x3c: {  	[sflag:s12] =	ssyncadd.s32 $0xFFFFC000  }
0x3d: {  	s24 =	sadd.s32 $0x4000, s24;
	s25 =	sadd.s32 $0x800, s25;
	s26 =	smov.u32 s23  }
0x3e: {  	[tilespmem:s16], [sflag:$0x3] =	stream.linear.gather [hbm4b:s25+s3], $0x100, $0x38;
	[tilespmem:$0x8200] =	vst v63  }
0x3f: {  	p0 =	sne.s32 s23, $0x160000;
	s23 =	sadd.s32 $0x20000, s23;
	_ =	swait.ge [sflag:s12], $0x100  }
0x40: {  	[sflag:s12] =	ssyncset.done $0x0  }
0x41: {  	[sflag:s12] =	ssyncadd.s32 $0xFFFFFF00  }
0x42: {  	[tilespmem:s17], [sflag:$0x2] =	stream.indirect.gather [hbm4b:s4+s13], $0x40, s16, s13, $0xb8;
	[tilespmem:$0x8200] =	vst v63  }
0x43: {  	_ = 	snop  }
0x44: {  	[tilespmem:s19], [sflag:$0x2] =	stream.indirect.gather [hbm4b:s4+s13], $0x40, s18, s13, $0xb8;
	[tilespmem:$0x8200] =	vst v63  }
0x45: {  	_ =	swait.ge [sflag:s20], $0x2000  }
0x46: {  	[sflag:s20] =	ssyncset.done $0x0  }
0x47: {  	[sflag:s20] =	ssyncadd.s32 $0xFFFFE000  }
0x48: {  	_ =	swait.ge [sflag:s20], $0x2000  }
0x49: {  	[sflag:s20] =	ssyncset.done $0x0  }
0x4a: {  	s28 =	sadd.s32 s26, s9;
	[sflag:s20] =	ssyncadd.s32 $0xFFFFE000  }
0x4b: {  	[hbm4b:s28+s3] =	stream.linear.scatter [tilespmem:s14], [sflag:$0x3], $0x4000, $0x38;
	[tilespmem:$0x8200] =	vst v63  }
0x4c: {  	_ =	swait.ge [sflag:s12], $0x4000  }
0x4d: {  	s28 =	sshrl.u32 s24, $0x3;
	[sflag:s12] =	ssyncset.done $0x0  }
0x4e: {  	s28 =	sadd.s32 s1, s28;
	[sflag:s12] =	ssyncadd.s32 $0xFFFFC000  }
0x4f: {  	[tilespmem:s3], [sflag:$0x3] =	stream.linear.gather [hbm4b:s28+s3], $0x100, $0x38;
	[tilespmem:$0x8200] =	vst v63  }
0x50: {  	_ =	swait.ge [sflag:s12], $0x100  }
0x51: {  	[sflag:s12] =	ssyncset.done $0x0  }
0x52: {  	[sflag:s12] =	ssyncadd.s32 $0xFFFFFF00  }
0x53: {  	[tilespmem:s14], [sflag:$0x1] =	stream.indirect.gather [hbm4b:s4+s13], $0x40, s3, s13, $0xb8;
	[tilespmem:$0x8200] =	vst v63  }
0x54: {  	_ = 	snop  }
0x55: {  	[tilespmem:s15], [sflag:$0x1] =	stream.indirect.gather [hbm4b:s4+s13], $0x40, s13, s13, $0xb8;
	[tilespmem:$0x8200] =	vst v63  }
0x56: {  	_ =	swait.ge [sflag:s21], $0x2000  }
0x57: {  	[sflag:s21] =	ssyncset.done $0x0  }
0x58: {  	[sflag:s21] =	ssyncadd.s32 $0xFFFFE000  }
0x59: {  	_ =	swait.ge [sflag:s21], $0x2000  }
.Ltmp0:
0x5a: {  	[sflag:s21] =	ssyncset.done $0x0;
	(pc) =	sbr.rel @p0 .LBB2_2-.Ltmp0, $4  }
0x5b: {  	s26 =	sadd.s32 s26, s10;
	[sflag:s21] =	ssyncadd.s32 $0xFFFFE000  }
0x5c: {  	[hbm4b:s26+s3] =	stream.linear.scatter [tilespmem:s17], [sflag:$0x3], $0x4000, $0x38;
	[tilespmem:$0x8200] =	vst v63  }
0x5d: {  	_ =	swait.ge [sflag:s12], $0x4000  }
0x5e: {  	[sflag:s12] =	ssyncset.done $0x0  }
0x5f: {  	[sflag:s12] =	ssyncadd.s32 $0xFFFFC000  }
0x60: {  	_ =	swait.ge [sflag:s20], $0x2000  }
0x61: {  	[sflag:s20] =	ssyncset.done $0x0  }
0x62: {  	[sflag:s20] =	ssyncadd.s32 $0xFFFFE000  }
0x63: {  	s22 =	sadd.s32 $0x1, s22;
	_ =	swait.ge [sflag:s20], $0x2000  }
0x64: {  	p0 =	sne.s32 s22, s7;
	[sflag:s20] =	ssyncset.done $0x0  }
.Ltmp1:
0x65: {  	[sflag:s20] =	ssyncadd.s32 $0xFFFFE000;
	(pc) =	sbr.rel @p0 .LBB2_1-.Ltmp1, $4  }
0x66: {  	[hbm4b:s6+s3] =	stream.linear.scatter [tilespmem:s14], [sflag:$0x3], $0x4000, $0x38;
	[tilespmem:$0x8200] =	vst v63  }
0x67: {  	_ =	swait.ge [sflag:s12], $0x4000  }
0x68: {  	[sflag:s12] =	ssyncset.done $0x0  }
0x69: {  	[sflag:s12] =	ssyncadd.s32 $0xFFFFC000  }
0x6a: {  	_ =	sfence.sel $0x180000  }
0x6b: {  	[bflag:$0x0] =	sbarrier.arrive $0xFFFF  }
0x6c: {  	p0 =	sne.s32 s2, $0x0;
	_ =	strace $0x90000047  }
0x6d: {  	s0 =	sadd.s32 @!p0 $0x100000, s0;
	[bflag:$0x2] =	sbarrier.arrive $0xFFFF  }
0x6e: {  	[sflag:s0] =	ssyncadd.tile.s32 @!p0 $0x1;
	_ =	shalt  }
.Lfunc_end2:
_tile_overlayer_lowered:
.L_overlay_start_2:
0x6f: {  	(tag) =	ssettag $0x2  }
0x70: {  	s0 =	rddreg [dreg:$0x0];
	s2 =	stileid.u32  }
0x71: {  	s1 =	rddreg [dreg:$0x1];
	p0 =	sne.s32 s2, $0x0  }
0x72: {  	s3 =	rddreg [dreg:$0x2];
	[bflag:$0x3] =	sbarrier.arrive $0xFFFF;
	s2 =	simm.s32 @!p0 $0x1C03  }
0x73: {  	[timem:s3], [sflag:s2] =	dma.local @!p0 [hbm:s0], s1  }
0x74: {  	s0 =	simm.s32 @!p0 $0x3  }
0x75: {  	_ =	swait.ge @!p0 [sflag:s0], s1  }
0x76: {  	s1 =	ssub.s32 @!p0 $0x0, s1;
	[sflag:s0] =	ssyncset.done @!p0 $0x0  }
0x77: {  	[sflag:s0] =	ssyncadd.s32 @!p0 s1  }
0x78: {  	[bflag:$0x3] =	sbarrier.arrive $0xFFFF  }
0x79: {  	_ =	shalt  }

</sc_bundles>
